<compile_context>
chip_gen: v7x
topology: tpu7x:2x2x1
jax: 0.10.2.dev20260603
libtpu: 0.0.44.dev20260713+nightly
codegen_flags: <defaults>
</compile_context>

<pallas_src>
import jax
import jax.numpy as jnp
from jax import lax
from jax.experimental import pallas as pl
from jax.experimental.pallas import tpu as pltpu
from jax.experimental.pallas import tpu_sc as plsc

N = 10000
E = 320000
F = 128
H = 64
NC, NS, L = 2, 16, 16
CH = 128
EPAD = 327680
NCH = EPAD // NS // CH
NBUF = 4
TRASH = N
ACC_ROWS = 10240
DEG_W = 80896
DEG_OUT = 10112

_mesh = plsc.VectorSubcoreMesh(
    core_axis_name="c", subcore_axis_name="s", num_cores=NC, num_subcores=NS)


def _deg_body(ei_hbm, out0_hbm, out1_hbm, deg_sh, zb_v, ones_v, dstb_v, dsem):
    c = lax.axis_index("c")
    s = lax.axis_index("s")
    w = c * NS + s
    ROWS = EPAD // CH // (NC * NS)
    ZQ = DEG_OUT // NS

    def _z(k, carry):
        zb_v[pl.ds(k * L, L)] = jnp.zeros((L,), jnp.float32)
        return carry
    lax.fori_loop(0, 640 // L, _z, 0)

    def _ob(k, carry):
        ones_v[pl.ds(k * L, L)] = jnp.ones((L,), jnp.float32)
        return carry
    lax.fori_loop(0, CH // L, _ob, 0)
    pltpu.sync_copy(zb_v.at[pl.ds(0, ZQ)], deg_sh.at[pl.ds(s * ZQ, ZQ)])
    pltpu.sync_copy(ei_hbm.at[1, pl.ds(w * ROWS, ROWS)], dstb_v)
    plsc.subcore_barrier()

    def _grp(g, carry):
        for b in range(8):
            pltpu.async_copy(
                ones_v, deg_sh.at[dstb_v.at[g * 8 + b]], dsem, add=True)
        for b in range(8):
            pltpu.make_async_copy(
                ones_v, deg_sh.at[dstb_v.at[g * 8 + b]], dsem).wait()
        return carry
    lax.fori_loop(0, ROWS // 8, _grp, 0)
    plsc.subcore_barrier()

    @pl.when(s == 0)
    def _():
        @pl.when(c == 0)
        def _():
            pltpu.sync_copy(deg_sh, out0_hbm)

        @pl.when(c == 1)
        def _():
            pltpu.sync_copy(deg_sh, out1_hbm)


_deg_call = pl.kernel(
    _deg_body,
    out_type=(jax.ShapeDtypeStruct((DEG_OUT,), jnp.float32),
              jax.ShapeDtypeStruct((DEG_OUT,), jnp.float32)),
    mesh=_mesh,
    compiler_params=pltpu.CompilerParams(use_tc_tiling_on_sc=False),
    scratch_types=[
        pltpu.VMEM_SHARED((DEG_OUT,), jnp.float32),
        pltpu.VMEM((640,), jnp.float32),
        pltpu.VMEM((CH,), jnp.float32),
        pltpu.VMEM((EPAD // CH // (NC * NS), CH), jnp.int32),
        pltpu.SemaphoreType.DMA,
    ],
)


def _scatter_body(h_hbm, ei_hbm, out_hbm,
                  acc_sh, tab_sh, sidx_v, didx_v,
                  rows0_v, rows1_v, rows2_v, rows3_v,
                  g0, g1, g2, g3, s0, s1, s2, s3):
    c = lax.axis_index("c")
    s = lax.axis_index("s")
    rowbufs = (rows0_v, rows1_v, rows2_v, rows3_v)
    gsems = (g0, g1, g2, g3)
    ssems = (s0, s1, s2, s3)

    r0 = s * (N // NS)
    pltpu.sync_copy(h_hbm.at[pl.ds(r0, N // NS), pl.ds(c * H, H)],
                    tab_sh.at[pl.ds(r0, N // NS)])
    pltpu.sync_copy(h_hbm.at[pl.ds(r0, N // NS), pl.ds(c * H, H)],
                    acc_sh.at[pl.ds(r0, N // NS)])
    plsc.subcore_barrier()

    NQ = NCH // 4

    D = 2

    def _quarter(q, carry):
        qbase = s * NCH + q * NQ
        pltpu.sync_copy(ei_hbm.at[0, pl.ds(qbase, NQ)], sidx_v)
        pltpu.sync_copy(ei_hbm.at[1, pl.ds(qbase, NQ)], didx_v)

        def _slots(g, carry2):
            for b in range(NBUF):
                t = g * NBUF + b
                bs = (b + NBUF - D) % NBUF

                @pl.when(t >= NBUF)
                def _():
                    pltpu.make_async_copy(
                        rowbufs[b], acc_sh.at[didx_v.at[t - NBUF]],
                        ssems[b]).wait()

                @pl.when(t < NQ)
                def _():
                    pltpu.async_copy(
                        tab_sh.at[sidx_v.at[t]], rowbufs[b], gsems[b])

                @pl.when(jnp.logical_and(t >= D, t < NQ + D))
                def _():
                    pltpu.make_async_copy(
                        tab_sh.at[sidx_v.at[t - D]], rowbufs[bs],
                        gsems[bs]).wait()
                    pltpu.async_copy(
                        rowbufs[bs], acc_sh.at[didx_v.at[t - D]],
                        ssems[bs], add=True)
            return carry2
        return lax.fori_loop(0, (NQ + NBUF) // NBUF, _slots, carry)
    lax.fori_loop(0, 4, _quarter, 0)
    plsc.subcore_barrier()

    pltpu.sync_copy(acc_sh.at[pl.ds(r0, N // NS)],
                    out_hbm.at[pl.ds(r0, N // NS), pl.ds(c * H, H)])


_scatter_call = pl.kernel(
    _scatter_body,
    out_type=jax.ShapeDtypeStruct((N, F), jnp.bfloat16),
    mesh=_mesh,
    compiler_params=pltpu.CompilerParams(use_tc_tiling_on_sc=False),
    scratch_types=[
        pltpu.VMEM_SHARED((ACC_ROWS, H), jnp.bfloat16),
        pltpu.VMEM_SHARED((ACC_ROWS, H), jnp.bfloat16),
        pltpu.VMEM((NCH // 4, CH), jnp.int32),
        pltpu.VMEM((NCH // 4, CH), jnp.int32),
        pltpu.VMEM((CH, H), jnp.bfloat16),
        pltpu.VMEM((CH, H), jnp.bfloat16),
        pltpu.VMEM((CH, H), jnp.bfloat16),
        pltpu.VMEM((CH, H), jnp.bfloat16),
        pltpu.SemaphoreType.DMA,
        pltpu.SemaphoreType.DMA,
        pltpu.SemaphoreType.DMA,
        pltpu.SemaphoreType.DMA,
        pltpu.SemaphoreType.DMA,
        pltpu.SemaphoreType.DMA,
        pltpu.SemaphoreType.DMA,
        pltpu.SemaphoreType.DMA,
    ],
)


def _dis_body(d0_ref, d1_ref, dis_ref):
    deg = d0_ref[...] + d1_ref[...] + 1.0
    dis_ref[...] = lax.rsqrt(deg)


def _mm_scale_body(x_ref, wt_ref, dis_ref, o_ref):
    h = jnp.dot(x_ref[...], wt_ref[...], preferred_element_type=jnp.float32)
    o_ref[...] = (h * dis_ref[...]).astype(jnp.bfloat16)


def _layer2_body(a_ref, dis_ref, b_ref, wt_ref, o_ref):
    a = a_ref[...].astype(jnp.float32)
    z = jnp.maximum(a * dis_ref[...] + b_ref[...], 0.0)
    h = jnp.dot(z, wt_ref[...], preferred_element_type=jnp.float32)
    o_ref[...] = (h * dis_ref[...]).astype(jnp.bfloat16)


def _final_body(a_ref, dis_ref, b_ref, wt_ref, bfc_ref, o_ref):
    a = a_ref[...].astype(jnp.float32)
    z = jnp.maximum(a * dis_ref[...] + b_ref[...], 0.0)
    m = jnp.sum(z, axis=0, keepdims=True) * (1.0 / N)
    o_ref[...] = jnp.dot(m, wt_ref[...],
                         preferred_element_type=jnp.float32) + bfc_ref[...]


_dis_call = pl.pallas_call(
    _dis_body,
    out_shape=jax.ShapeDtypeStruct((DEG_OUT // 128, 128), jnp.float32),
)

_mm_call = pl.pallas_call(
    _mm_scale_body,
    out_shape=jax.ShapeDtypeStruct((N, F), jnp.bfloat16),
)

_layer2_call = pl.pallas_call(
    _layer2_body,
    out_shape=jax.ShapeDtypeStruct((N, F), jnp.bfloat16),
)

_final_call = pl.pallas_call(
    _final_body,
    out_shape=jax.ShapeDtypeStruct((1, F), jnp.float32),
)


def kernel(x, edge_index, W1, b1, W2, b2, Wfc, bfc):
    ei3 = jnp.pad(edge_index.astype(jnp.int32), ((0, 0), (0, EPAD - E)),
                  constant_values=TRASH).reshape(2, EPAD // CH, CH)

    d0, d1 = _deg_call(ei3)
    dis = _dis_call(d0.reshape(DEG_OUT // 128, 128),
                    d1.reshape(DEG_OUT // 128, 128))
    dis_col = dis.reshape(DEG_OUT)[:N].reshape(N, 1)
    h1 = _mm_call(x, W1.T, dis_col)
    a1 = _scatter_call(h1, ei3)
    h2 = _layer2_call(a1, dis_col, b1.reshape(1, F), W2.T)
    a2 = _scatter_call(h2, ei3)
    out = _final_call(a2, dis_col, b2.reshape(1, F),
                      Wfc.T, bfc.reshape(1, F))
    return out

# --- scband reference (transcript-rebuilt; emitter-appended) ---
"""Pipeline reference for scband-gnnpredictor-65481071403354 (READ-ONLY COPY).

The authoritative reference and input builder live on the scoring server;
editing this copy changes nothing except your own understanding.
"""

import jax, jax.numpy as jnp
import numpy as np

N_NODES = 10000
N_EDGES = 320000
IN_CH = 128
HIDDEN = 128
OUT_DIM = 128


def gcn_conv(x, src, dst, W, b, n_nodes):
    # PyG GCNConv with add_self_loops=True, normalize=True, bias=True
    loop = jnp.arange(n_nodes, dtype=src.dtype)
    src_f = jnp.concatenate([src, loop])
    dst_f = jnp.concatenate([dst, loop])
    # linear transform first
    h = x @ W.T
    # symmetric normalization: deg computed on destination (col) with unit edge weights
    deg = jnp.zeros((n_nodes,), dtype=x.dtype).at[dst_f].add(1.0)
    deg_inv_sqrt = jnp.where(deg > 0, deg ** -0.5, 0.0)
    norm = deg_inv_sqrt[src_f] * deg_inv_sqrt[dst_f]
    msg = h[src_f] * norm[:, None]
    out = jnp.zeros_like(h).at[dst_f].add(msg)
    return out + b


def setup_inputs(seed: int = 0) -> dict:
    key = jax.random.key(seed)
    ks = jax.random.split(key, 8)
    x = jax.random.normal(ks[0], (N_NODES, IN_CH), dtype=jnp.float32)
    edge_index = jax.random.randint(ks[1], (2, N_EDGES), 0, N_NODES, dtype=jnp.int64)
    s1 = 1.0 / np.sqrt(IN_CH)
    s2 = 1.0 / np.sqrt(HIDDEN)
    W1 = jax.random.uniform(ks[2], (HIDDEN, IN_CH), jnp.float32, -s1, s1)
    b1 = jnp.zeros((HIDDEN,), dtype=jnp.float32)
    W2 = jax.random.uniform(ks[3], (HIDDEN, HIDDEN), jnp.float32, -s2, s2)
    b2 = jnp.zeros((HIDDEN,), dtype=jnp.float32)
    Wfc = jax.random.uniform(ks[4], (OUT_DIM, HIDDEN), jnp.float32, -s2, s2)
    bfc = jax.random.uniform(ks[5], (OUT_DIM,), jnp.float32, -s2, s2)
    return {"x": x, "edge_index": edge_index, "W1": W1, "b1": b1, "W2": W2, "b2": b2, "Wfc": Wfc, "bfc": bfc}


def reference(x, edge_index, W1, b1, W2, b2, Wfc, bfc):
    src = edge_index[0]
    dst = edge_index[1]
    h = jax.nn.relu(gcn_conv(x, src, dst, W1, b1, N_NODES))
    h = jax.nn.relu(gcn_conv(h, src, dst, W2, b2, N_NODES))
    h = jnp.mean(h, axis=0, keepdims=True)
    out = h @ Wfc.T + bfc
    return out

if __name__ == "__main__":
    import jax
    _d = setup_inputs()
    print(jax.jit(kernel)(*tuple(_d.values())))

</pallas_src>

<mosaic_0001>
#map = affine_map<(d0, d1) -> (0, 0, 0)>
#map1 = affine_map<(d0, d1) -> (0)>
module attributes {stable_mosaic.version = 14 : i64} {
  func.func @_deg_body(%arg0: i32, %arg1: i32, %arg2: memref<2x2560x128xi32, #tpu.memory_space<hbm>>, %arg3: memref<10112xf32, #tpu.memory_space<hbm>>, %arg4: memref<10112xf32, #tpu.memory_space<hbm>>, %arg5: memref<10112xf32, #tpu.memory_space<vmem_shared>>, %arg6: memref<640xf32, #tpu.memory_space<vmem>>, %arg7: memref<128xf32, #tpu.memory_space<vmem>>, %arg8: memref<80x128xi32, #tpu.memory_space<vmem>>, %arg9: memref<!tpu.dma_semaphore, #tpu.memory_space<semaphore_mem>>) attributes {dimension_semantics = [#tpu.dimension_semantics<core_parallel>, #tpu.dimension_semantics<subcore_parallel>], iteration_bounds = array<i64: 2, 16>, scalar_prefetch = 0 : i64, scratch_operands = 5 : i64, tpu.core_type = #tpu.core_type<sc_vector_subcore>, window_params = [{transform_indices = #map}, {transform_indices = #map1}, {transform_indices = #map1}]} {
    %mul3A = arith.constant 16 : i32
    %mul3A_0 = arith.muli %arg0, %mul3A : i32
    %add3A = arith.addi %mul3A_0, %arg1 : i32
    %scan3A = arith.constant 0 : i32
    %scan3A_1 = arith.constant 0 : i32
    %scan3A_2 = arith.constant 40 : i32
    %scan3A_3 = arith.addi %scan3A_1, %scan3A_2 : i32
    %scan3A_4 = arith.constant 1 : i32
    scf.for %scan3A_25 = %scan3A_1 to %scan3A_3 step %scan3A_4  : i32 {
      %broadcast_in_dim3A = arith.constant 0.000000e+00 : f32
      %broadcast_in_dim3A_26 = vector.broadcast %broadcast_in_dim3A : f32 to vector<16xf32>
      %mul3A_27 = arith.constant 16 : i32
      %mul3A_28 = arith.muli %scan3A_25, %mul3A_27 : i32
      %swap3A = arith.index_cast %mul3A_28 : i32 to index
      %swap3A_29 = tpu.vector_load %arg6[%swap3A] {strides = array<i32>} : memref<640xf32, #tpu.memory_space<vmem>>, vector<16xf32>,
      %swap3A_30 = vector.shape_cast %swap3A_29 : vector<16xf32> to vector<16xf32>
      %swap3A_31 = vector.shape_cast %broadcast_in_dim3A_26 : vector<16xf32> to vector<16xf32>
      tpu.vector_store %arg6[%swap3A], %swap3A_31 {strides = array<i32>} : memref<640xf32, #tpu.memory_space<vmem>>, vector<16xf32>,
    }
    %scan3A_5 = arith.constant 40 : i32
    %scan3A_6 = arith.constant 0 : i32
    %scan3A_7 = arith.constant 0 : i32
    %scan3A_8 = arith.constant 8 : i32
    %scan3A_9 = arith.addi %scan3A_7, %scan3A_8 : i32
    %scan3A_10 = arith.constant 1 : i32
    scf.for %scan3A_25 = %scan3A_7 to %scan3A_9 step %scan3A_10  : i32 {
      %broadcast_in_dim3A = arith.constant 1.000000e+00 : f32
      %broadcast_in_dim3A_26 = vector.broadcast %broadcast_in_dim3A : f32 to vector<16xf32>
      %mul3A_27 = arith.constant 16 : i32
      %mul3A_28 = arith.muli %scan3A_25, %mul3A_27 : i32
      %swap3A = arith.index_cast %mul3A_28 : i32 to index
      %swap3A_29 = tpu.vector_load %arg7[%swap3A] {strides = array<i32>} : memref<128xf32, #tpu.memory_space<vmem>>, vector<16xf32>,
      %swap3A_30 = vector.shape_cast %swap3A_29 : vector<16xf32> to vector<16xf32>
      %swap3A_31 = vector.shape_cast %broadcast_in_dim3A_26 : vector<16xf32> to vector<16xf32>
      tpu.vector_store %arg7[%swap3A], %swap3A_31 {strides = array<i32>} : memref<128xf32, #tpu.memory_space<vmem>>, vector<16xf32>,
    }
    %scan3A_11 = arith.constant 8 : i32
    %mul3A_12 = arith.constant 632 : i32
    %mul3A_13 = arith.muli %arg1, %mul3A_12 : i32
    "tpu.region"() ({
      %run_scoped3A_25 = tpu.sem_alloc : memref<!tpu.dma_semaphore, #tpu.memory_space<semaphore_mem>>
      %dma_start3A = arith.constant 0 : i32
      %dma_start3A_26 = tpu.memref_slice %arg6[%dma_start3A] : memref<640xf32, #tpu.memory_space<vmem>> -> memref<632xf32, #tpu.memory_space<vmem>>
      %dma_start3A_27 = tpu.memref_slice %arg5[%mul3A_13] : memref<10112xf32, #tpu.memory_space<vmem_shared>> -> memref<632xf32, #tpu.memory_space<vmem_shared>>
      %dma_start3A_28 = tpu.memref_slice %arg5[%mul3A_13] : memref<10112xf32, #tpu.memory_space<vmem_shared>> -> memref<632xf32, #tpu.memory_space<vmem_shared>>
      %dma_start3A_29 = arith.constant 0 : i32
      %dma_start3A_30 = tpu.memref_slice %arg6[%dma_start3A_29] : memref<640xf32, #tpu.memory_space<vmem>> -> memref<632xf32, #tpu.memory_space<vmem>>
      tpu.enqueue_dma source(%dma_start3A_30 : memref<632xf32, #tpu.memory_space<vmem>>) target(%dma_start3A_28 : memref<632xf32, #tpu.memory_space<vmem_shared>>) target_semaphore(%run_scoped3A_25 : memref<!tpu.dma_semaphore, #tpu.memory_space<semaphore_mem>>)
      %dma_wait3A = arith.constant 0 : i32
      %dma_wait3A_31 = tpu.memref_slice %arg6[%dma_wait3A] : memref<640xf32, #tpu.memory_space<vmem>> -> memref<632xf32, #tpu.memory_space<vmem>>
      %dma_wait3A_32 = tpu.memref_slice %arg5[%mul3A_13] : memref<10112xf32, #tpu.memory_space<vmem_shared>> -> memref<632xf32, #tpu.memory_space<vmem_shared>>
      %dma_wait3A_33 = tpu.memref_slice %arg5[%mul3A_13] : memref<10112xf32, #tpu.memory_space<vmem_shared>> -> memref<632xf32, #tpu.memory_space<vmem_shared>>
      %dma_wait3A_34 = arith.constant 0 : i32
      %dma_wait3A_35 = tpu.memref_slice %arg6[%dma_wait3A_34] : memref<640xf32, #tpu.memory_space<vmem>> -> memref<632xf32, #tpu.memory_space<vmem>>
      tpu.wait_dma2 semaphore(%run_scoped3A_25 : memref<!tpu.dma_semaphore, #tpu.memory_space<semaphore_mem>>) src(%dma_wait3A_35 : memref<632xf32, #tpu.memory_space<vmem>>) dst(%dma_wait3A_33 : memref<632xf32, #tpu.memory_space<vmem_shared>>)
      tpu.yield
    }) : () -> ()
    %mul3A_14 = arith.constant 80 : i32
    %mul3A_15 = arith.muli %add3A, %mul3A_14 : i32
    %run_scoped3A = arith.constant 1 : i32
    "tpu.region"() ({
      %run_scoped3A_25 = tpu.sem_alloc : memref<!tpu.dma_semaphore, #tpu.memory_space<semaphore_mem>>
      %dma_start3A = arith.constant 0 : i32
      %dma_start3A_26 = tpu.memref_slice %arg2[%run_scoped3A, %mul3A_15, %dma_start3A] : memref<2x2560x128xi32, #tpu.memory_space<hbm>> -> memref<1x80x128xi32, #tpu.memory_space<hbm>>
      %dma_start3A_27 = tpu.memref_squeeze %dma_start3A_26 : memref<1x80x128xi32, #tpu.memory_space<hbm>> -> memref<80x128xi32, #tpu.memory_space<hbm>>
      %dma_start3A_28 = arith.constant 0 : i32
      %dma_start3A_29 = tpu.memref_slice %arg2[%run_scoped3A, %mul3A_15, %dma_start3A_28] : memref<2x2560x128xi32, #tpu.memory_space<hbm>> -> memref<1x80x128xi32, #tpu.memory_space<hbm>>
      %dma_start3A_30 = tpu.memref_squeeze %dma_start3A_29 : memref<1x80x128xi32, #tpu.memory_space<hbm>> -> memref<80x128xi32, #tpu.memory_space<hbm>>
      tpu.enqueue_dma source(%dma_start3A_30 : memref<80x128xi32, #tpu.memory_space<hbm>>) target(%arg8 : memref<80x128xi32, #tpu.memory_space<vmem>>) target_semaphore(%run_scoped3A_25 : memref<!tpu.dma_semaphore, #tpu.memory_space<semaphore_mem>>)
      %dma_wait3A = arith.constant 0 : i32
      %dma_wait3A_31 = tpu.memref_slice %arg2[%run_scoped3A, %mul3A_15, %dma_wait3A] : memref<2x2560x128xi32, #tpu.memory_space<hbm>> -> memref<1x80x128xi32, #tpu.memory_space<hbm>>
      %dma_wait3A_32 = tpu.memref_squeeze %dma_wait3A_31 : memref<1x80x128xi32, #tpu.memory_space<hbm>> -> memref<80x128xi32, #tpu.memory_space<hbm>>
      %dma_wait3A_33 = arith.constant 0 : i32
      %dma_wait3A_34 = tpu.memref_slice %arg2[%run_scoped3A, %mul3A_15, %dma_wait3A_33] : memref<2x2560x128xi32, #tpu.memory_space<hbm>> -> memref<1x80x128xi32, #tpu.memory_space<hbm>>
      %dma_wait3A_35 = tpu.memref_squeeze %dma_wait3A_34 : memref<1x80x128xi32, #tpu.memory_space<hbm>> -> memref<80x128xi32, #tpu.memory_space<hbm>>
      tpu.wait_dma2 semaphore(%run_scoped3A_25 : memref<!tpu.dma_semaphore, #tpu.memory_space<semaphore_mem>>) src(%dma_wait3A_35 : memref<80x128xi32, #tpu.memory_space<hbm>>) dst(%arg8 : memref<80x128xi32, #tpu.memory_space<vmem>>)
      tpu.yield
    }) : () -> ()
    %barrier3A = arith.constant 0 : index
    tpu.barrier barrier_id(%barrier3A)
    %scan3A_16 = arith.constant 0 : i32
    %scan3A_17 = arith.constant 0 : i32
    %scan3A_18 = arith.constant 10 : i32
    %scan3A_19 = arith.addi %scan3A_17, %scan3A_18 : i32
    %scan3A_20 = arith.constant 1 : i32
    scf.for %scan3A_25 = %scan3A_17 to %scan3A_19 step %scan3A_20  : i32 {
      %mul3A_26 = arith.constant 8 : i32
      %mul3A_27 = arith.muli %scan3A_25, %mul3A_26 : i32
      %add3A_28 = arith.constant 0 : i32
      %add3A_29 = arith.addi %mul3A_27, %add3A_28 : i32
      %dma_start3A = arith.constant 0 : i32
      %dma_start3A_30 = tpu.memref_slice %arg8[%add3A_29, %dma_start3A] : memref<80x128xi32, #tpu.memory_space<vmem>> -> memref<1x128xi32, #tpu.memory_space<vmem>>
      %dma_start3A_31 = tpu.memref_squeeze %dma_start3A_30 : memref<1x128xi32, #tpu.memory_space<vmem>> -> memref<128xi32, #tpu.memory_space<vmem>>
      %dma_start3A_32 = arith.constant 0 : i32
      %dma_start3A_33 = tpu.memref_slice %arg5[%dma_start3A_32] : memref<10112xf32, #tpu.memory_space<vmem_shared>> -> memref<10112xf32, #tpu.memory_space<vmem_shared>>
      tpu.enqueue_indirect_dma source(%arg7 : memref<128xf32, #tpu.memory_space<vmem>>) target(%dma_start3A_33 : memref<10112xf32, #tpu.memory_space<vmem_shared>>) offsets(%dma_start3A_31 : memref<128xi32, #tpu.memory_space<vmem>>) semaphore(%arg9 : memref<!tpu.dma_semaphore, #tpu.memory_space<semaphore_mem>>) {add = true}
      %mul3A_34 = arith.constant 8 : i32
      %mul3A_35 = arith.muli %scan3A_25, %mul3A_34 : i32
      %add3A_36 = arith.constant 1 : i32
      %add3A_37 = arith.addi %mul3A_35, %add3A_36 : i32
      %dma_start3A_38 = arith.constant 0 : i32
      %dma_start3A_39 = tpu.memref_slice %arg8[%add3A_37, %dma_start3A_38] : memref<80x128xi32, #tpu.memory_space<vmem>> -> memref<1x128xi32, #tpu.memory_space<vmem>>
      %dma_start3A_40 = tpu.memref_squeeze %dma_start3A_39 : memref<1x128xi32, #tpu.memory_space<vmem>> -> memref<128xi32, #tpu.memory_space<vmem>>
      %dma_start3A_41 = arith.constant 0 : i32
      %dma_start3A_42 = tpu.memref_slice %arg5[%dma_start3A_41] : memref<10112xf32, #tpu.memory_space<vmem_shared>> -> memref<10112xf32, #tpu.memory_space<vmem_shared>>
      tpu.enqueue_indirect_dma source(%arg7 : memref<128xf32, #tpu.memory_space<vmem>>) target(%dma_start3A_42 : memref<10112xf32, #tpu.memory_space<vmem_shared>>) offsets(%dma_start3A_40 : memref<128xi32, #tpu.memory_space<vmem>>) semaphore(%arg9 : memref<!tpu.dma_semaphore, #tpu.memory_space<semaphore_mem>>) {add = true}
      %mul3A_43 = arith.constant 8 : i32
      %mul3A_44 = arith.muli %scan3A_25, %mul3A_43 : i32
      %add3A_45 = arith.constant 2 : i32
      %add3A_46 = arith.addi %mul3A_44, %add3A_45 : i32
      %dma_start3A_47 = arith.constant 0 : i32
      %dma_start3A_48 = tpu.memref_slice %arg8[%add3A_46, %dma_start3A_47] : memref<80x128xi32, #tpu.memory_space<vmem>> -> memref<1x128xi32, #tpu.memory_space<vmem>>
      %dma_start3A_49 = tpu.memref_squeeze %dma_start3A_48 : memref<1x128xi32, #tpu.memory_space<vmem>> -> memref<128xi32, #tpu.memory_space<vmem>>
      %dma_start3A_50 = arith.constant 0 : i32
      %dma_start3A_51 = tpu.memref_slice %arg5[%dma_start3A_50] : memref<10112xf32, #tpu.memory_space<vmem_shared>> -> memref<10112xf32, #tpu.memory_space<vmem_shared>>
      tpu.enqueue_indirect_dma source(%arg7 : memref<128xf32, #tpu.memory_space<vmem>>) target(%dma_start3A_51 : memref<10112xf32, #tpu.memory_space<vmem_shared>>) offsets(%dma_start3A_49 : memref<128xi32, #tpu.memory_space<vmem>>) semaphore(%arg9 : memref<!tpu.dma_semaphore, #tpu.memory_space<semaphore_mem>>) {add = true}
      %mul3A_52 = arith.constant 8 : i32
      %mul3A_53 = arith.muli %scan3A_25, %mul3A_52 : i32
      %add3A_54 = arith.constant 3 : i32
      %add3A_55 = arith.addi %mul3A_53, %add3A_54 : i32
      %dma_start3A_56 = arith.constant 0 : i32
      %dma_start3A_57 = tpu.memref_slice %arg8[%add3A_55, %dma_start3A_56] : memref<80x128xi32, #tpu.memory_space<vmem>> -> memref<1x128xi32, #tpu.memory_space<vmem>>
      %dma_start3A_58 = tpu.memref_squeeze %dma_start3A_57 : memref<1x128xi32, #tpu.memory_space<vmem>> -> memref<128xi32, #tpu.memory_space<vmem>>
      %dma_start3A_59 = arith.constant 0 : i32
      %dma_start3A_60 = tpu.memref_slice %arg5[%dma_start3A_59] : memref<10112xf32, #tpu.memory_space<vmem_shared>> -> memref<10112xf32, #tpu.memory_space<vmem_shared>>
      tpu.enqueue_indirect_dma source(%arg7 : memref<128xf32, #tpu.memory_space<vmem>>) target(%dma_start3A_60 : memref<10112xf32, #tpu.memory_space<vmem_shared>>) offsets(%dma_start3A_58 : memref<128xi32, #tpu.memory_space<vmem>>) semaphore(%arg9 : memref<!tpu.dma_semaphore, #tpu.memory_space<semaphore_mem>>) {add = true}
      %mul3A_61 = arith.constant 8 : i32
      %mul3A_62 = arith.muli %scan3A_25, %mul3A_61 : i32
      %add3A_63 = arith.constant 4 : i32
      %add3A_64 = arith.addi %mul3A_62, %add3A_63 : i32
      %dma_start3A_65 = arith.constant 0 : i32
      %dma_start3A_66 = tpu.memref_slice %arg8[%add3A_64, %dma_start3A_65] : memref<80x128xi32, #tpu.memory_space<vmem>> -> memref<1x128xi32, #tpu.memory_space<vmem>>
      %dma_start3A_67 = tpu.memref_squeeze %dma_start3A_66 : memref<1x128xi32, #tpu.memory_space<vmem>> -> memref<128xi32, #tpu.memory_space<vmem>>
      %dma_start3A_68 = arith.constant 0 : i32
      %dma_start3A_69 = tpu.memref_slice %arg5[%dma_start3A_68] : memref<10112xf32, #tpu.memory_space<vmem_shared>> -> memref<10112xf32, #tpu.memory_space<vmem_shared>>
      tpu.enqueue_indirect_dma source(%arg7 : memref<128xf32, #tpu.memory_space<vmem>>) target(%dma_start3A_69 : memref<10112xf32, #tpu.memory_space<vmem_shared>>) offsets(%dma_start3A_67 : memref<128xi32, #tpu.memory_space<vmem>>) semaphore(%arg9 : memref<!tpu.dma_semaphore, #tpu.memory_space<semaphore_mem>>) {add = true}
      %mul3A_70 = arith.constant 8 : i32
      %mul3A_71 = arith.muli %scan3A_25, %mul3A_70 : i32
      %add3A_72 = arith.constant 5 : i32
      %add3A_73 = arith.addi %mul3A_71, %add3A_72 : i32
      %dma_start3A_74 = arith.constant 0 : i32
      %dma_start3A_75 = tpu.memref_slice %arg8[%add3A_73, %dma_start3A_74] : memref<80x128xi32, #tpu.memory_space<vmem>> -> memref<1x128xi32, #tpu.memory_space<vmem>>
      %dma_start3A_76 = tpu.memref_squeeze %dma_start3A_75 : memref<1x128xi32, #tpu.memory_space<vmem>> -> memref<128xi32, #tpu.memory_space<vmem>>
      %dma_start3A_77 = arith.constant 0 : i32
      %dma_start3A_78 = tpu.memref_slice %arg5[%dma_start3A_77] : memref<10112xf32, #tpu.memory_space<vmem_shared>> -> memref<10112xf32, #tpu.memory_space<vmem_shared>>
      tpu.enqueue_indirect_dma source(%arg7 : memref<128xf32, #tpu.memory_space<vmem>>) target(%dma_start3A_78 : memref<10112xf32, #tpu.memory_space<vmem_shared>>) offsets(%dma_start3A_76 : memref<128xi32, #tpu.memory_space<vmem>>) semaphore(%arg9 : memref<!tpu.dma_semaphore, #tpu.memory_space<semaphore_mem>>) {add = true}
      %mul3A_79 = arith.constant 8 : i32
      %mul3A_80 = arith.muli %scan3A_25, %mul3A_79 : i32
      %add3A_81 = arith.constant 6 : i32
      %add3A_82 = arith.addi %mul3A_80, %add3A_81 : i32
      %dma_start3A_83 = arith.constant 0 : i32
      %dma_start3A_84 = tpu.memref_slice %arg8[%add3A_82, %dma_start3A_83] : memref<80x128xi32, #tpu.memory_space<vmem>> -> memref<1x128xi32, #tpu.memory_space<vmem>>
      %dma_start3A_85 = tpu.memref_squeeze %dma_start3A_84 : memref<1x128xi32, #tpu.memory_space<vmem>> -> memref<128xi32, #tpu.memory_space<vmem>>
      %dma_start3A_86 = arith.constant 0 : i32
      %dma_start3A_87 = tpu.memref_slice %arg5[%dma_start3A_86] : memref<10112xf32, #tpu.memory_space<vmem_shared>> -> memref<10112xf32, #tpu.memory_space<vmem_shared>>
      tpu.enqueue_indirect_dma source(%arg7 : memref<128xf32, #tpu.memory_space<vmem>>) target(%dma_start3A_87 : memref<10112xf32, #tpu.memory_space<vmem_shared>>) offsets(%dma_start3A_85 : memref<128xi32, #tpu.memory_space<vmem>>) semaphore(%arg9 : memref<!tpu.dma_semaphore, #tpu.memory_space<semaphore_mem>>) {add = true}
      %mul3A_88 = arith.constant 8 : i32
      %mul3A_89 = arith.muli %scan3A_25, %mul3A_88 : i32
      %add3A_90 = arith.constant 7 : i32
      %add3A_91 = arith.addi %mul3A_89, %add3A_90 : i32
      %dma_start3A_92 = arith.constant 0 : i32
      %dma_start3A_93 = tpu.memref_slice %arg8[%add3A_91, %dma_start3A_92] : memref<80x128xi32, #tpu.memory_space<vmem>> -> memref<1x128xi32, #tpu.memory_space<vmem>>
      %dma_start3A_94 = tpu.memref_squeeze %dma_start3A_93 : memref<1x128xi32, #tpu.memory_space<vmem>> -> memref<128xi32, #tpu.memory_space<vmem>>
      %dma_start3A_95 = arith.constant 0 : i32
      %dma_start3A_96 = tpu.memref_slice %arg5[%dma_start3A_95] : memref<10112xf32, #tpu.memory_space<vmem_shared>> -> memref<10112xf32, #tpu.memory_space<vmem_shared>>
      tpu.enqueue_indirect_dma source(%arg7 : memref<128xf32, #tpu.memory_space<vmem>>) target(%dma_start3A_96 : memref<10112xf32, #tpu.memory_space<vmem_shared>>) offsets(%dma_start3A_94 : memref<128xi32, #tpu.memory_space<vmem>>) semaphore(%arg9 : memref<!tpu.dma_semaphore, #tpu.memory_space<semaphore_mem>>) {add = true}
      %mul3A_97 = arith.constant 8 : i32
      %mul3A_98 = arith.muli %scan3A_25, %mul3A_97 : i32
      %add3A_99 = arith.constant 0 : i32
      %add3A_100 = arith.addi %mul3A_98, %add3A_99 : i32
      %dma_wait3A = arith.constant 0 : i32
      %dma_wait3A_101 = tpu.memref_slice %arg8[%add3A_100, %dma_wait3A] : memref<80x128xi32, #tpu.memory_space<vmem>> -> memref<1x128xi32, #tpu.memory_space<vmem>>
      %dma_wait3A_102 = tpu.memref_squeeze %dma_wait3A_101 : memref<1x128xi32, #tpu.memory_space<vmem>> -> memref<128xi32, #tpu.memory_space<vmem>>
      %dma_wait3A_103 = arith.constant 0 : i32
      %dma_wait3A_104 = tpu.memref_slice %arg5[%dma_wait3A_103] : memref<10112xf32, #tpu.memory_space<vmem_shared>> -> memref<10112xf32, #tpu.memory_space<vmem_shared>>
      tpu.wait_indirect_dma semaphore(%arg9 : memref<!tpu.dma_semaphore, #tpu.memory_space<semaphore_mem>>) src(%arg7 : memref<128xf32, #tpu.memory_space<vmem>>) dst(%dma_wait3A_104 : memref<10112xf32, #tpu.memory_space<vmem_shared>>)
      %mul3A_105 = arith.constant 8 : i32
      %mul3A_106 = arith.muli %scan3A_25, %mul3A_105 : i32
      %add3A_107 = arith.constant 1 : i32
      %add3A_108 = arith.addi %mul3A_106, %add3A_107 : i32
      %dma_wait3A_109 = arith.constant 0 : i32
      %dma_wait3A_110 = tpu.memref_slice %arg8[%add3A_108, %dma_wait3A_109] : memref<80x128xi32, #tpu.memory_space<vmem>> -> memref<1x128xi32, #tpu.memory_space<vmem>>
      %dma_wait3A_111 = tpu.memref_squeeze %dma_wait3A_110 : memref<1x128xi32, #tpu.memory_space<vmem>> -> memref<128xi32, #tpu.memory_space<vmem>>
      %dma_wait3A_112 = arith.constant 0 : i32
      %dma_wait3A_113 = tpu.memref_slice %arg5[%dma_wait3A_112] : memref<10112xf32, #tpu.memory_space<vmem_shared>> -> memref<10112xf32, #tpu.memory_space<vmem_shared>>
      tpu.wait_indirect_dma semaphore(%arg9 : memref<!tpu.dma_semaphore, #tpu.memory_space<semaphore_mem>>) src(%arg7 : memref<128xf32, #tpu.memory_space<vmem>>) dst(%dma_wait3A_113 : memref<10112xf32, #tpu.memory_space<vmem_shared>>)
      %mul3A_114 = arith.constant 8 : i32
      %mul3A_115 = arith.muli %scan3A_25, %mul3A_114 : i32
      %add3A_116 = arith.constant 2 : i32
      %add3A_117 = arith.addi %mul3A_115, %add3A_116 : i32
      %dma_wait3A_118 = arith.constant 0 : i32
      %dma_wait3A_119 = tpu.memref_slice %arg8[%add3A_117, %dma_wait3A_118] : memref<80x128xi32, #tpu.memory_space<vmem>> -> memref<1x128xi32, #tpu.memory_space<vmem>>
      %dma_wait3A_120 = tpu.memref_squeeze %dma_wait3A_119 : memref<1x128xi32, #tpu.memory_space<vmem>> -> memref<128xi32, #tpu.memory_space<vmem>>
      %dma_wait3A_121 = arith.constant 0 : i32
      %dma_wait3A_122 = tpu.memref_slice %arg5[%dma_wait3A_121] : memref<10112xf32, #tpu.memory_space<vmem_shared>> -> memref<10112xf32, #tpu.memory_space<vmem_shared>>
      tpu.wait_indirect_dma semaphore(%arg9 : memref<!tpu.dma_semaphore, #tpu.memory_space<semaphore_mem>>) src(%arg7 : memref<128xf32, #tpu.memory_space<vmem>>) dst(%dma_wait3A_122 : memref<10112xf32, #tpu.memory_space<vmem_shared>>)
      %mul3A_123 = arith.constant 8 : i32
      %mul3A_124 = arith.muli %scan3A_25, %mul3A_123 : i32
      %add3A_125 = arith.constant 3 : i32
      %add3A_126 = arith.addi %mul3A_124, %add3A_125 : i32
      %dma_wait3A_127 = arith.constant 0 : i32
      %dma_wait3A_128 = tpu.memref_slice %arg8[%add3A_126, %dma_wait3A_127] : memref<80x128xi32, #tpu.memory_space<vmem>> -> memref<1x128xi32, #tpu.memory_space<vmem>>
      %dma_wait3A_129 = tpu.memref_squeeze %dma_wait3A_128 : memref<1x128xi32, #tpu.memory_space<vmem>> -> memref<128xi32, #tpu.memory_space<vmem>>
      %dma_wait3A_130 = arith.constant 0 : i32
      %dma_wait3A_131 = tpu.memref_slice %arg5[%dma_wait3A_130] : memref<10112xf32, #tpu.memory_space<vmem_shared>> -> memref<10112xf32, #tpu.memory_space<vmem_shared>>
      tpu.wait_indirect_dma semaphore(%arg9 : memref<!tpu.dma_semaphore, #tpu.memory_space<semaphore_mem>>) src(%arg7 : memref<128xf32, #tpu.memory_space<vmem>>) dst(%dma_wait3A_131 : memref<10112xf32, #tpu.memory_space<vmem_shared>>)
      %mul3A_132 = arith.constant 8 : i32
      %mul3A_133 = arith.muli %scan3A_25, %mul3A_132 : i32
      %add3A_134 = arith.constant 4 : i32
      %add3A_135 = arith.addi %mul3A_133, %add3A_134 : i32
      %dma_wait3A_136 = arith.constant 0 : i32
      %dma_wait3A_137 = tpu.memref_slice %arg8[%add3A_135, %dma_wait3A_136] : memref<80x128xi32, #tpu.memory_space<vmem>> -> memref<1x128xi32, #tpu.memory_space<vmem>>
      %dma_wait3A_138 = tpu.memref_squeeze %dma_wait3A_137 : memref<1x128xi32, #tpu.memory_space<vmem>> -> memref<128xi32, #tpu.memory_space<vmem>>
      %dma_wait3A_139 = arith.constant 0 : i32
      %dma_wait3A_140 = tpu.memref_slice %arg5[%dma_wait3A_139] : memref<10112xf32, #tpu.memory_space<vmem_shared>> -> memref<10112xf32, #tpu.memory_space<vmem_shared>>
      tpu.wait_indirect_dma semaphore(%arg9 : memref<!tpu.dma_semaphore, #tpu.memory_space<semaphore_mem>>) src(%arg7 : memref<128xf32, #tpu.memory_space<vmem>>) dst(%dma_wait3A_140 : memref<10112xf32, #tpu.memory_space<vmem_shared>>)
      %mul3A_141 = arith.constant 8 : i32
      %mul3A_142 = arith.muli %scan3A_25, %mul3A_141 : i32
      %add3A_143 = arith.constant 5 : i32
      %add3A_144 = arith.addi %mul3A_142, %add3A_143 : i32
      %dma_wait3A_145 = arith.constant 0 : i32
      %dma_wait3A_146 = tpu.memref_slice %arg8[%add3A_144, %dma_wait3A_145] : memref<80x128xi32, #tpu.memory_space<vmem>> -> memref<1x128xi32, #tpu.memory_space<vmem>>
      %dma_wait3A_147 = tpu.memref_squeeze %dma_wait3A_146 : memref<1x128xi32, #tpu.memory_space<vmem>> -> memref<128xi32, #tpu.memory_space<vmem>>
      %dma_wait3A_148 = arith.constant 0 : i32
      %dma_wait3A_149 = tpu.memref_slice %arg5[%dma_wait3A_148] : memref<10112xf32, #tpu.memory_space<vmem_shared>> -> memref<10112xf32, #tpu.memory_space<vmem_shared>>
      tpu.wait_indirect_dma semaphore(%arg9 : memref<!tpu.dma_semaphore, #tpu.memory_space<semaphore_mem>>) src(%arg7 : memref<128xf32, #tpu.memory_space<vmem>>) dst(%dma_wait3A_149 : memref<10112xf32, #tpu.memory_space<vmem_shared>>)
      %mul3A_150 = arith.constant 8 : i32
      %mul3A_151 = arith.muli %scan3A_25, %mul3A_150 : i32
      %add3A_152 = arith.constant 6 : i32
      %add3A_153 = arith.addi %mul3A_151, %add3A_152 : i32
      %dma_wait3A_154 = arith.constant 0 : i32
      %dma_wait3A_155 = tpu.memref_slice %arg8[%add3A_153, %dma_wait3A_154] : memref<80x128xi32, #tpu.memory_space<vmem>> -> memref<1x128xi32, #tpu.memory_space<vmem>>
      %dma_wait3A_156 = tpu.memref_squeeze %dma_wait3A_155 : memref<1x128xi32, #tpu.memory_space<vmem>> -> memref<128xi32, #tpu.memory_space<vmem>>
      %dma_wait3A_157 = arith.constant 0 : i32
      %dma_wait3A_158 = tpu.memref_slice %arg5[%dma_wait3A_157] : memref<10112xf32, #tpu.memory_space<vmem_shared>> -> memref<10112xf32, #tpu.memory_space<vmem_shared>>
      tpu.wait_indirect_dma semaphore(%arg9 : memref<!tpu.dma_semaphore, #tpu.memory_space<semaphore_mem>>) src(%arg7 : memref<128xf32, #tpu.memory_space<vmem>>) dst(%dma_wait3A_158 : memref<10112xf32, #tpu.memory_space<vmem_shared>>)
      %mul3A_159 = arith.constant 8 : i32
      %mul3A_160 = arith.muli %scan3A_25, %mul3A_159 : i32
      %add3A_161 = arith.constant 7 : i32
      %add3A_162 = arith.addi %mul3A_160, %add3A_161 : i32
      %dma_wait3A_163 = arith.constant 0 : i32
      %dma_wait3A_164 = tpu.memref_slice %arg8[%add3A_162, %dma_wait3A_163] : memref<80x128xi32, #tpu.memory_space<vmem>> -> memref<1x128xi32, #tpu.memory_space<vmem>>
      %dma_wait3A_165 = tpu.memref_squeeze %dma_wait3A_164 : memref<1x128xi32, #tpu.memory_space<vmem>> -> memref<128xi32, #tpu.memory_space<vmem>>
      %dma_wait3A_166 = arith.constant 0 : i32
      %dma_wait3A_167 = tpu.memref_slice %arg5[%dma_wait3A_166] : memref<10112xf32, #tpu.memory_space<vmem_shared>> -> memref<10112xf32, #tpu.memory_space<vmem_shared>>
      tpu.wait_indirect_dma semaphore(%arg9 : memref<!tpu.dma_semaphore, #tpu.memory_space<semaphore_mem>>) src(%arg7 : memref<128xf32, #tpu.memory_space<vmem>>) dst(%dma_wait3A_167 : memref<10112xf32, #tpu.memory_space<vmem_shared>>)
    }
    %scan3A_21 = arith.constant 10 : i32
    %barrier3A_22 = arith.constant 0 : index
    tpu.barrier barrier_id(%barrier3A_22)
    %eq3A = arith.constant 0 : i32
    %eq3A_23 = arith.cmpi eq, %arg1, %eq3A : i32
    %convert_element_type3A = arith.extui %eq3A_23 : i1 to i32
    %cond3A = arith.constant 0 : i32
    %cond3A_24 = arith.cmpi ne, %convert_element_type3A, %cond3A : i32
    scf.if %cond3A_24 {
      %eq3A_25 = arith.constant 0 : i32
      %eq3A_26 = arith.cmpi eq, %arg0, %eq3A_25 : i32
      %convert_element_type3A_27 = arith.extui %eq3A_26 : i1 to i32
      %cond3A_28 = arith.constant 0 : i32
      %cond3A_29 = arith.cmpi ne, %convert_element_type3A_27, %cond3A_28 : i32
      scf.if %cond3A_29 {
        "tpu.region"() ({
          %run_scoped3A_35 = tpu.sem_alloc : memref<!tpu.dma_semaphore, #tpu.memory_space<semaphore_mem>>
          tpu.enqueue_dma source(%arg5 : memref<10112xf32, #tpu.memory_space<vmem_shared>>) target(%arg3 : memref<10112xf32, #tpu.memory_space<hbm>>) target_semaphore(%run_scoped3A_35 : memref<!tpu.dma_semaphore, #tpu.memory_space<semaphore_mem>>)
          tpu.wait_dma2 semaphore(%run_scoped3A_35 : memref<!tpu.dma_semaphore, #tpu.memory_space<semaphore_mem>>) src(%arg5 : memref<10112xf32, #tpu.memory_space<vmem_shared>>) dst(%arg3 : memref<10112xf32, #tpu.memory_space<hbm>>)
          tpu.yield
        }) : () -> ()
      } else {
      }
      %eq3A_30 = arith.constant 1 : i32
      %eq3A_31 = arith.cmpi eq, %arg0, %eq3A_30 : i32
      %convert_element_type3A_32 = arith.extui %eq3A_31 : i1 to i32
      %cond3A_33 = arith.constant 0 : i32
      %cond3A_34 = arith.cmpi ne, %convert_element_type3A_32, %cond3A_33 : i32
      scf.if %cond3A_34 {
        "tpu.region"() ({
          %run_scoped3A_35 = tpu.sem_alloc : memref<!tpu.dma_semaphore, #tpu.memory_space<semaphore_mem>>
          tpu.enqueue_dma source(%arg5 : memref<10112xf32, #tpu.memory_space<vmem_shared>>) target(%arg4 : memref<10112xf32, #tpu.memory_space<hbm>>) target_semaphore(%run_scoped3A_35 : memref<!tpu.dma_semaphore, #tpu.memory_space<semaphore_mem>>)
          tpu.wait_dma2 semaphore(%run_scoped3A_35 : memref<!tpu.dma_semaphore, #tpu.memory_space<semaphore_mem>>) src(%arg5 : memref<10112xf32, #tpu.memory_space<vmem_shared>>) dst(%arg4 : memref<10112xf32, #tpu.memory_space<hbm>>)
          tpu.yield
        }) : () -> ()
      } else {
      }
    } else {
    }
    return
  }
}

#map = affine_map<(d0, d1) -> (0, 0)>
#map1 = affine_map<(d0, d1) -> (0, 0, 0)>
module attributes {stable_mosaic.version = 14 : i64} {
  func.func @_scatter_body(%arg0: i32, %arg1: i32, %arg2: memref<10000x128xbf16, #tpu.memory_space<hbm>>, %arg3: memref<2x2560x128xi32, #tpu.memory_space<hbm>>, %arg4: memref<10000x128xbf16, #tpu.memory_space<hbm>>, %arg5: memref<10240x64xbf16, #tpu.memory_space<vmem_shared>>, %arg6: memref<10240x64xbf16, #tpu.memory_space<vmem_shared>>, %arg7: memref<40x128xi32, #tpu.memory_space<vmem>>, %arg8: memref<40x128xi32, #tpu.memory_space<vmem>>, %arg9: memref<128x64xbf16, #tpu.memory_space<vmem>>, %arg10: memref<128x64xbf16, #tpu.memory_space<vmem>>, %arg11: memref<128x64xbf16, #tpu.memory_space<vmem>>, %arg12: memref<128x64xbf16, #tpu.memory_space<vmem>>, %arg13: memref<!tpu.dma_semaphore, #tpu.memory_space<semaphore_mem>>, %arg14: memref<!tpu.dma_semaphore, #tpu.memory_space<semaphore_mem>>, %arg15: memref<!tpu.dma_semaphore, #tpu.memory_space<semaphore_mem>>, %arg16: memref<!tpu.dma_semaphore, #tpu.memory_space<semaphore_mem>>, %arg17: memref<!tpu.dma_semaphore, #tpu.memory_space<semaphore_mem>>, %arg18: memref<!tpu.dma_semaphore, #tpu.memory_space<semaphore_mem>>, %arg19: memref<!tpu.dma_semaphore, #tpu.memory_space<semaphore_mem>>, %arg20: memref<!tpu.dma_semaphore, #tpu.memory_space<semaphore_mem>>) attributes {dimension_semantics = [#tpu.dimension_semantics<core_parallel>, #tpu.dimension_semantics<subcore_parallel>], iteration_bounds = array<i64: 2, 16>, scalar_prefetch = 0 : i64, scratch_operands = 16 : i64, tpu.core_type = #tpu.core_type<sc_vector_subcore>, window_params = [{transform_indices = #map}, {transform_indices = #map1}, {transform_indices = #map}]} {
    %mul3A = arith.constant 625 : i32
    %mul3A_0 = arith.muli %arg1, %mul3A : i32
    %mul3A_1 = arith.constant 64 : i32
    %mul3A_2 = arith.muli %arg0, %mul3A_1 : i32
    "tpu.region"() ({
      %run_scoped3A = tpu.sem_alloc : memref<!tpu.dma_semaphore, #tpu.memory_space<semaphore_mem>>
      %dma_start3A = arith.constant 0 : i32
      %dma_start3A_13 = tpu.memref_slice %arg6[%mul3A_0, %dma_start3A] : memref<10240x64xbf16, #tpu.memory_space<vmem_shared>> -> memref<625x64xbf16, #tpu.memory_space<vmem_shared>>
      %dma_start3A_14 = tpu.memref_slice %arg2[%mul3A_0, %mul3A_2] : memref<10000x128xbf16, #tpu.memory_space<hbm>> -> memref<625x64xbf16, #tpu.memory_space<hbm>>
      tpu.enqueue_dma source(%dma_start3A_14 : memref<625x64xbf16, #tpu.memory_space<hbm>>) target(%dma_start3A_13 : memref<625x64xbf16, #tpu.memory_space<vmem_shared>>) target_semaphore(%run_scoped3A : memref<!tpu.dma_semaphore, #tpu.memory_space<semaphore_mem>>)
      %dma_wait3A = arith.constant 0 : i32
      %dma_wait3A_15 = tpu.memref_slice %arg6[%mul3A_0, %dma_wait3A] : memref<10240x64xbf16, #tpu.memory_space<vmem_shared>> -> memref<625x64xbf16, #tpu.memory_space<vmem_shared>>
      %dma_wait3A_16 = tpu.memref_slice %arg2[%mul3A_0, %mul3A_2] : memref<10000x128xbf16, #tpu.memory_space<hbm>> -> memref<625x64xbf16, #tpu.memory_space<hbm>>
      tpu.wait_dma2 semaphore(%run_scoped3A : memref<!tpu.dma_semaphore, #tpu.memory_space<semaphore_mem>>) src(%dma_wait3A_16 : memref<625x64xbf16, #tpu.memory_space<hbm>>) dst(%dma_wait3A_15 : memref<625x64xbf16, #tpu.memory_space<vmem_shared>>)
      tpu.yield
    }) : () -> ()
    %mul3A_3 = arith.constant 64 : i32
    %mul3A_4 = arith.muli %arg0, %mul3A_3 : i32
    "tpu.region"() ({
      %run_scoped3A = tpu.sem_alloc : memref<!tpu.dma_semaphore, #tpu.memory_space<semaphore_mem>>
      %dma_start3A = arith.constant 0 : i32
      %dma_start3A_13 = tpu.memref_slice %arg5[%mul3A_0, %dma_start3A] : memref<10240x64xbf16, #tpu.memory_space<vmem_shared>> -> memref<625x64xbf16, #tpu.memory_space<vmem_shared>>
      %dma_start3A_14 = tpu.memref_slice %arg2[%mul3A_0, %mul3A_4] : memref<10000x128xbf16, #tpu.memory_space<hbm>> -> memref<625x64xbf16, #tpu.memory_space<hbm>>
      tpu.enqueue_dma source(%dma_start3A_14 : memref<625x64xbf16, #tpu.memory_space<hbm>>) target(%dma_start3A_13 : memref<625x64xbf16, #tpu.memory_space<vmem_shared>>) target_semaphore(%run_scoped3A : memref<!tpu.dma_semaphore, #tpu.memory_space<semaphore_mem>>)
      %dma_wait3A = arith.constant 0 : i32
      %dma_wait3A_15 = tpu.memref_slice %arg5[%mul3A_0, %dma_wait3A] : memref<10240x64xbf16, #tpu.memory_space<vmem_shared>> -> memref<625x64xbf16, #tpu.memory_space<vmem_shared>>
      %dma_wait3A_16 = tpu.memref_slice %arg2[%mul3A_0, %mul3A_4] : memref<10000x128xbf16, #tpu.memory_space<hbm>> -> memref<625x64xbf16, #tpu.memory_space<hbm>>
      tpu.wait_dma2 semaphore(%run_scoped3A : memref<!tpu.dma_semaphore, #tpu.memory_space<semaphore_mem>>) src(%dma_wait3A_16 : memref<625x64xbf16, #tpu.memory_space<hbm>>) dst(%dma_wait3A_15 : memref<625x64xbf16, #tpu.memory_space<vmem_shared>>)
      tpu.yield
    }) : () -> ()
    %barrier3A = arith.constant 0 : index
    tpu.barrier barrier_id(%barrier3A)
    %scan3A = arith.constant 0 : i32
    %scan3A_5 = arith.constant 0 : i32
    %scan3A_6 = arith.constant 4 : i32
    %scan3A_7 = arith.addi %scan3A_5, %scan3A_6 : i32
    %scan3A_8 = arith.constant 1 : i32
    scf.for %scan3A_13 = %scan3A_5 to %scan3A_7 step %scan3A_8  : i32 {
      %mul3A_14 = arith.constant 160 : i32
      %mul3A_15 = arith.muli %arg1, %mul3A_14 : i32
      %mul3A_16 = arith.constant 40 : i32
      %mul3A_17 = arith.muli %scan3A_13, %mul3A_16 : i32
      %add3A = arith.addi %mul3A_15, %mul3A_17 : i32
      %run_scoped3A = arith.constant 0 : i32
      "tpu.region"() ({
        %run_scoped3A_24 = tpu.sem_alloc : memref<!tpu.dma_semaphore, #tpu.memory_space<semaphore_mem>>
        %dma_start3A = arith.constant 0 : i32
        %dma_start3A_25 = tpu.memref_slice %arg3[%run_scoped3A, %add3A, %dma_start3A] : memref<2x2560x128xi32, #tpu.memory_space<hbm>> -> memref<1x40x128xi32, #tpu.memory_space<hbm>>
        %dma_start3A_26 = tpu.memref_squeeze %dma_start3A_25 : memref<1x40x128xi32, #tpu.memory_space<hbm>> -> memref<40x128xi32, #tpu.memory_space<hbm>>
        %dma_start3A_27 = arith.constant 0 : i32
        %dma_start3A_28 = tpu.memref_slice %arg3[%run_scoped3A, %add3A, %dma_start3A_27] : memref<2x2560x128xi32, #tpu.memory_space<hbm>> -> memref<1x40x128xi32, #tpu.memory_space<hbm>>
        %dma_start3A_29 = tpu.memref_squeeze %dma_start3A_28 : memref<1x40x128xi32, #tpu.memory_space<hbm>> -> memref<40x128xi32, #tpu.memory_space<hbm>>
        tpu.enqueue_dma source(%dma_start3A_29 : memref<40x128xi32, #tpu.memory_space<hbm>>) target(%arg7 : memref<40x128xi32, #tpu.memory_space<vmem>>) target_semaphore(%run_scoped3A_24 : memref<!tpu.dma_semaphore, #tpu.memory_space<semaphore_mem>>)
        %dma_wait3A = arith.constant 0 : i32
        %dma_wait3A_30 = tpu.memref_slice %arg3[%run_scoped3A, %add3A, %dma_wait3A] : memref<2x2560x128xi32, #tpu.memory_space<hbm>> -> memref<1x40x128xi32, #tpu.memory_space<hbm>>
        %dma_wait3A_31 = tpu.memref_squeeze %dma_wait3A_30 : memref<1x40x128xi32, #tpu.memory_space<hbm>> -> memref<40x128xi32, #tpu.memory_space<hbm>>
        %dma_wait3A_32 = arith.constant 0 : i32
        %dma_wait3A_33 = tpu.memref_slice %arg3[%run_scoped3A, %add3A, %dma_wait3A_32] : memref<2x2560x128xi32, #tpu.memory_space<hbm>> -> memref<1x40x128xi32, #tpu.memory_space<hbm>>
        %dma_wait3A_34 = tpu.memref_squeeze %dma_wait3A_33 : memref<1x40x128xi32, #tpu.memory_space<hbm>> -> memref<40x128xi32, #tpu.memory_space<hbm>>
        tpu.wait_dma2 semaphore(%run_scoped3A_24 : memref<!tpu.dma_semaphore, #tpu.memory_space<semaphore_mem>>) src(%dma_wait3A_34 : memref<40x128xi32, #tpu.memory_space<hbm>>) dst(%arg7 : memref<40x128xi32, #tpu.memory_space<vmem>>)
        tpu.yield
      }) : () -> ()
      %run_scoped3A_18 = arith.constant 1 : i32
      "tpu.region"() ({
        %run_scoped3A_24 = tpu.sem_alloc : memref<!tpu.dma_semaphore, #tpu.memory_space<semaphore_mem>>
        %dma_start3A = arith.constant 0 : i32
        %dma_start3A_25 = tpu.memref_slice %arg3[%run_scoped3A_18, %add3A, %dma_start3A] : memref<2x2560x128xi32, #tpu.memory_space<hbm>> -> memref<1x40x128xi32, #tpu.memory_space<hbm>>
        %dma_start3A_26 = tpu.memref_squeeze %dma_start3A_25 : memref<1x40x128xi32, #tpu.memory_space<hbm>> -> memref<40x128xi32, #tpu.memory_space<hbm>>
        %dma_start3A_27 = arith.constant 0 : i32
        %dma_start3A_28 = tpu.memref_slice %arg3[%run_scoped3A_18, %add3A, %dma_start3A_27] : memref<2x2560x128xi32, #tpu.memory_space<hbm>> -> memref<1x40x128xi32, #tpu.memory_space<hbm>>
        %dma_start3A_29 = tpu.memref_squeeze %dma_start3A_28 : memref<1x40x128xi32, #tpu.memory_space<hbm>> -> memref<40x128xi32, #tpu.memory_space<hbm>>
        tpu.enqueue_dma source(%dma_start3A_29 : memref<40x128xi32, #tpu.memory_space<hbm>>) target(%arg8 : memref<40x128xi32, #tpu.memory_space<vmem>>) target_semaphore(%run_scoped3A_24 : memref<!tpu.dma_semaphore, #tpu.memory_space<semaphore_mem>>)
        %dma_wait3A = arith.constant 0 : i32
        %dma_wait3A_30 = tpu.memref_slice %arg3[%run_scoped3A_18, %add3A, %dma_wait3A] : memref<2x2560x128xi32, #tpu.memory_space<hbm>> -> memref<1x40x128xi32, #tpu.memory_space<hbm>>
        %dma_wait3A_31 = tpu.memref_squeeze %dma_wait3A_30 : memref<1x40x128xi32, #tpu.memory_space<hbm>> -> memref<40x128xi32, #tpu.memory_space<hbm>>
        %dma_wait3A_32 = arith.constant 0 : i32
        %dma_wait3A_33 = tpu.memref_slice %arg3[%run_scoped3A_18, %add3A, %dma_wait3A_32] : memref<2x2560x128xi32, #tpu.memory_space<hbm>> -> memref<1x40x128xi32, #tpu.memory_space<hbm>>
        %dma_wait3A_34 = tpu.memref_squeeze %dma_wait3A_33 : memref<1x40x128xi32, #tpu.memory_space<hbm>> -> memref<40x128xi32, #tpu.memory_space<hbm>>
        tpu.wait_dma2 semaphore(%run_scoped3A_24 : memref<!tpu.dma_semaphore, #tpu.memory_space<semaphore_mem>>) src(%dma_wait3A_34 : memref<40x128xi32, #tpu.memory_space<hbm>>) dst(%arg8 : memref<40x128xi32, #tpu.memory_space<vmem>>)
        tpu.yield
      }) : () -> ()
      %scan3A_19 = arith.constant 0 : i32
      %scan3A_20 = arith.constant 11 : i32
      %scan3A_21 = arith.addi %scan3A_19, %scan3A_20 : i32
      %scan3A_22 = arith.constant 1 : i32
      scf.for %scan3A_24 = %scan3A_19 to %scan3A_21 step %scan3A_22  : i32 {
        %mul3A_25 = arith.constant 4 : i32
        %mul3A_26 = arith.muli %scan3A_24, %mul3A_25 : i32
        %add3A_27 = arith.constant 0 : i32
        %add3A_28 = arith.addi %mul3A_26, %add3A_27 : i32
        %ge3A = arith.constant 4 : i32
        %ge3A_29 = arith.cmpi sge, %add3A_28, %ge3A : i32
        %convert_element_type3A = arith.extui %ge3A_29 : i1 to i32
        %cond3A = arith.constant 0 : i32
        %cond3A_30 = arith.cmpi ne, %convert_element_type3A, %cond3A : i32
        scf.if %cond3A_30 {
          %sub3A = arith.constant 4 : i32
          %sub3A_108 = arith.subi %add3A_28, %sub3A : i32
          %dma_wait3A = arith.constant 0 : i32
          %dma_wait3A_109 = tpu.memref_slice %arg8[%sub3A_108, %dma_wait3A] : memref<40x128xi32, #tpu.memory_space<vmem>> -> memref<1x128xi32, #tpu.memory_space<vmem>>
          %dma_wait3A_110 = tpu.memref_squeeze %dma_wait3A_109 : memref<1x128xi32, #tpu.memory_space<vmem>> -> memref<128xi32, #tpu.memory_space<vmem>>
          %dma_wait3A_111 = arith.constant 0 : i32
          %dma_wait3A_112 = arith.constant 0 : i32
          %dma_wait3A_113 = tpu.memref_slice %arg5[%dma_wait3A_111, %dma_wait3A_112] : memref<10240x64xbf16, #tpu.memory_space<vmem_shared>> -> memref<10240x64xbf16, #tpu.memory_space<vmem_shared>>
          tpu.wait_indirect_dma semaphore(%arg17 : memref<!tpu.dma_semaphore, #tpu.memory_space<semaphore_mem>>) src(%arg9 : memref<128x64xbf16, #tpu.memory_space<vmem>>) dst(%dma_wait3A_113 : memref<10240x64xbf16, #tpu.memory_space<vmem_shared>>)
        } else {
        }
        %lt3A = arith.constant 40 : i32
        %lt3A_31 = arith.cmpi slt, %add3A_28, %lt3A : i32
        %convert_element_type3A_32 = arith.extui %lt3A_31 : i1 to i32
        %cond3A_33 = arith.constant 0 : i32
        %cond3A_34 = arith.cmpi ne, %convert_element_type3A_32, %cond3A_33 : i32
        scf.if %cond3A_34 {
          %dma_start3A = arith.constant 0 : i32
          %dma_start3A_108 = tpu.memref_slice %arg7[%add3A_28, %dma_start3A] : memref<40x128xi32, #tpu.memory_space<vmem>> -> memref<1x128xi32, #tpu.memory_space<vmem>>
          %dma_start3A_109 = tpu.memref_squeeze %dma_start3A_108 : memref<1x128xi32, #tpu.memory_space<vmem>> -> memref<128xi32, #tpu.memory_space<vmem>>
          %dma_start3A_110 = arith.constant 0 : i32
          %dma_start3A_111 = arith.constant 0 : i32
          %dma_start3A_112 = tpu.memref_slice %arg6[%dma_start3A_110, %dma_start3A_111] : memref<10240x64xbf16, #tpu.memory_space<vmem_shared>> -> memref<10240x64xbf16, #tpu.memory_space<vmem_shared>>
          tpu.enqueue_indirect_dma source(%dma_start3A_112 : memref<10240x64xbf16, #tpu.memory_space<vmem_shared>>) target(%arg9 : memref<128x64xbf16, #tpu.memory_space<vmem>>) offsets(%dma_start3A_109 : memref<128xi32, #tpu.memory_space<vmem>>) semaphore(%arg13 : memref<!tpu.dma_semaphore, #tpu.memory_space<semaphore_mem>>)
        } else {
        }
        %ge3A_35 = arith.constant 2 : i32
        %ge3A_36 = arith.cmpi sge, %add3A_28, %ge3A_35 : i32
        %lt3A_37 = arith.constant 42 : i32
        %lt3A_38 = arith.cmpi slt, %add3A_28, %lt3A_37 : i32
        %and3A = arith.andi %ge3A_36, %lt3A_38 : i1
        %convert_element_type3A_39 = arith.extui %and3A : i1 to i32
        %cond3A_40 = arith.constant 0 : i32
        %cond3A_41 = arith.cmpi ne, %convert_element_type3A_39, %cond3A_40 : i32
        scf.if %cond3A_41 {
          %sub3A = arith.constant 2 : i32
          %sub3A_108 = arith.subi %add3A_28, %sub3A : i32
          %dma_wait3A = arith.constant 0 : i32
          %dma_wait3A_109 = tpu.memref_slice %arg7[%sub3A_108, %dma_wait3A] : memref<40x128xi32, #tpu.memory_space<vmem>> -> memref<1x128xi32, #tpu.memory_space<vmem>>
          %dma_wait3A_110 = tpu.memref_squeeze %dma_wait3A_109 : memref<1x128xi32, #tpu.memory_space<vmem>> -> memref<128xi32, #tpu.memory_space<vmem>>
          %dma_wait3A_111 = arith.constant 0 : i32
          %dma_wait3A_112 = arith.constant 0 : i32
          %dma_wait3A_113 = tpu.memref_slice %arg6[%dma_wait3A_111, %dma_wait3A_112] : memref<10240x64xbf16, #tpu.memory_space<vmem_shared>> -> memref<10240x64xbf16, #tpu.memory_space<vmem_shared>>
          tpu.wait_indirect_dma semaphore(%arg15 : memref<!tpu.dma_semaphore, #tpu.memory_space<semaphore_mem>>) src(%dma_wait3A_113 : memref<10240x64xbf16, #tpu.memory_space<vmem_shared>>) dst(%arg11 : memref<128x64xbf16, #tpu.memory_space<vmem>>)
          %sub3A_114 = arith.constant 2 : i32
          %sub3A_115 = arith.subi %add3A_28, %sub3A_114 : i32
          %dma_start3A = arith.constant 0 : i32
          %dma_start3A_116 = tpu.memref_slice %arg8[%sub3A_115, %dma_start3A] : memref<40x128xi32, #tpu.memory_space<vmem>> -> memref<1x128xi32, #tpu.memory_space<vmem>>
          %dma_start3A_117 = tpu.memref_squeeze %dma_start3A_116 : memref<1x128xi32, #tpu.memory_space<vmem>> -> memref<128xi32, #tpu.memory_space<vmem>>
          %dma_start3A_118 = arith.constant 0 : i32
          %dma_start3A_119 = arith.constant 0 : i32
          %dma_start3A_120 = tpu.memref_slice %arg5[%dma_start3A_118, %dma_start3A_119] : memref<10240x64xbf16, #tpu.memory_space<vmem_shared>> -> memref<10240x64xbf16, #tpu.memory_space<vmem_shared>>
          tpu.enqueue_indirect_dma source(%arg11 : memref<128x64xbf16, #tpu.memory_space<vmem>>) target(%dma_start3A_120 : memref<10240x64xbf16, #tpu.memory_space<vmem_shared>>) offsets(%dma_start3A_117 : memref<128xi32, #tpu.memory_space<vmem>>) semaphore(%arg19 : memref<!tpu.dma_semaphore, #tpu.memory_space<semaphore_mem>>) {add = true}
        } else {
        }
        %mul3A_42 = arith.constant 4 : i32
        %mul3A_43 = arith.muli %scan3A_24, %mul3A_42 : i32
        %add3A_44 = arith.constant 1 : i32
        %add3A_45 = arith.addi %mul3A_43, %add3A_44 : i32
        %ge3A_46 = arith.constant 4 : i32
        %ge3A_47 = arith.cmpi sge, %add3A_45, %ge3A_46 : i32
        %convert_element_type3A_48 = arith.extui %ge3A_47 : i1 to i32
        %cond3A_49 = arith.constant 0 : i32
        %cond3A_50 = arith.cmpi ne, %convert_element_type3A_48, %cond3A_49 : i32
        scf.if %cond3A_50 {
          %sub3A = arith.constant 4 : i32
          %sub3A_108 = arith.subi %add3A_45, %sub3A : i32
          %dma_wait3A = arith.constant 0 : i32
          %dma_wait3A_109 = tpu.memref_slice %arg8[%sub3A_108, %dma_wait3A] : memref<40x128xi32, #tpu.memory_space<vmem>> -> memref<1x128xi32, #tpu.memory_space<vmem>>
          %dma_wait3A_110 = tpu.memref_squeeze %dma_wait3A_109 : memref<1x128xi32, #tpu.memory_space<vmem>> -> memref<128xi32, #tpu.memory_space<vmem>>
          %dma_wait3A_111 = arith.constant 0 : i32
          %dma_wait3A_112 = arith.constant 0 : i32
          %dma_wait3A_113 = tpu.memref_slice %arg5[%dma_wait3A_111, %dma_wait3A_112] : memref<10240x64xbf16, #tpu.memory_space<vmem_shared>> -> memref<10240x64xbf16, #tpu.memory_space<vmem_shared>>
          tpu.wait_indirect_dma semaphore(%arg18 : memref<!tpu.dma_semaphore, #tpu.memory_space<semaphore_mem>>) src(%arg10 : memref<128x64xbf16, #tpu.memory_space<vmem>>) dst(%dma_wait3A_113 : memref<10240x64xbf16, #tpu.memory_space<vmem_shared>>)
        } else {
        }
        %lt3A_51 = arith.constant 40 : i32
        %lt3A_52 = arith.cmpi slt, %add3A_45, %lt3A_51 : i32
        %convert_element_type3A_53 = arith.extui %lt3A_52 : i1 to i32
        %cond3A_54 = arith.constant 0 : i32
        %cond3A_55 = arith.cmpi ne, %convert_element_type3A_53, %cond3A_54 : i32
        scf.if %cond3A_55 {
          %dma_start3A = arith.constant 0 : i32
          %dma_start3A_108 = tpu.memref_slice %arg7[%add3A_45, %dma_start3A] : memref<40x128xi32, #tpu.memory_space<vmem>> -> memref<1x128xi32, #tpu.memory_space<vmem>>
          %dma_start3A_109 = tpu.memref_squeeze %dma_start3A_108 : memref<1x128xi32, #tpu.memory_space<vmem>> -> memref<128xi32, #tpu.memory_space<vmem>>
          %dma_start3A_110 = arith.constant 0 : i32
          %dma_start3A_111 = arith.constant 0 : i32
          %dma_start3A_112 = tpu.memref_slice %arg6[%dma_start3A_110, %dma_start3A_111] : memref<10240x64xbf16, #tpu.memory_space<vmem_shared>> -> memref<10240x64xbf16, #tpu.memory_space<vmem_shared>>
          tpu.enqueue_indirect_dma source(%dma_start3A_112 : memref<10240x64xbf16, #tpu.memory_space<vmem_shared>>) target(%arg10 : memref<128x64xbf16, #tpu.memory_space<vmem>>) offsets(%dma_start3A_109 : memref<128xi32, #tpu.memory_space<vmem>>) semaphore(%arg14 : memref<!tpu.dma_semaphore, #tpu.memory_space<semaphore_mem>>)
        } else {
        }
        %ge3A_56 = arith.constant 2 : i32
        %ge3A_57 = arith.cmpi sge, %add3A_45, %ge3A_56 : i32
        %lt3A_58 = arith.constant 42 : i32
        %lt3A_59 = arith.cmpi slt, %add3A_45, %lt3A_58 : i32
        %and3A_60 = arith.andi %ge3A_57, %lt3A_59 : i1
        %convert_element_type3A_61 = arith.extui %and3A_60 : i1 to i32
        %cond3A_62 = arith.constant 0 : i32
        %cond3A_63 = arith.cmpi ne, %convert_element_type3A_61, %cond3A_62 : i32
        scf.if %cond3A_63 {
          %sub3A = arith.constant 2 : i32
          %sub3A_108 = arith.subi %add3A_45, %sub3A : i32
          %dma_wait3A = arith.constant 0 : i32
          %dma_wait3A_109 = tpu.memref_slice %arg7[%sub3A_108, %dma_wait3A] : memref<40x128xi32, #tpu.memory_space<vmem>> -> memref<1x128xi32, #tpu.memory_space<vmem>>
          %dma_wait3A_110 = tpu.memref_squeeze %dma_wait3A_109 : memref<1x128xi32, #tpu.memory_space<vmem>> -> memref<128xi32, #tpu.memory_space<vmem>>
          %dma_wait3A_111 = arith.constant 0 : i32
          %dma_wait3A_112 = arith.constant 0 : i32
          %dma_wait3A_113 = tpu.memref_slice %arg6[%dma_wait3A_111, %dma_wait3A_112] : memref<10240x64xbf16, #tpu.memory_space<vmem_shared>> -> memref<10240x64xbf16, #tpu.memory_space<vmem_shared>>
          tpu.wait_indirect_dma semaphore(%arg16 : memref<!tpu.dma_semaphore, #tpu.memory_space<semaphore_mem>>) src(%dma_wait3A_113 : memref<10240x64xbf16, #tpu.memory_space<vmem_shared>>) dst(%arg12 : memref<128x64xbf16, #tpu.memory_space<vmem>>)
          %sub3A_114 = arith.constant 2 : i32
          %sub3A_115 = arith.subi %add3A_45, %sub3A_114 : i32
          %dma_start3A = arith.constant 0 : i32
          %dma_start3A_116 = tpu.memref_slice %arg8[%sub3A_115, %dma_start3A] : memref<40x128xi32, #tpu.memory_space<vmem>> -> memref<1x128xi32, #tpu.memory_space<vmem>>
          %dma_start3A_117 = tpu.memref_squeeze %dma_start3A_116 : memref<1x128xi32, #tpu.memory_space<vmem>> -> memref<128xi32, #tpu.memory_space<vmem>>
          %dma_start3A_118 = arith.constant 0 : i32
          %dma_start3A_119 = arith.constant 0 : i32
          %dma_start3A_120 = tpu.memref_slice %arg5[%dma_start3A_118, %dma_start3A_119] : memref<10240x64xbf16, #tpu.memory_space<vmem_shared>> -> memref<10240x64xbf16, #tpu.memory_space<vmem_shared>>
          tpu.enqueue_indirect_dma source(%arg12 : memref<128x64xbf16, #tpu.memory_space<vmem>>) target(%dma_start3A_120 : memref<10240x64xbf16, #tpu.memory_space<vmem_shared>>) offsets(%dma_start3A_117 : memref<128xi32, #tpu.memory_space<vmem>>) semaphore(%arg20 : memref<!tpu.dma_semaphore, #tpu.memory_space<semaphore_mem>>) {add = true}
        } else {
        }
        %mul3A_64 = arith.constant 4 : i32
        %mul3A_65 = arith.muli %scan3A_24, %mul3A_64 : i32
        %add3A_66 = arith.constant 2 : i32
        %add3A_67 = arith.addi %mul3A_65, %add3A_66 : i32
        %ge3A_68 = arith.constant 4 : i32
        %ge3A_69 = arith.cmpi sge, %add3A_67, %ge3A_68 : i32
        %convert_element_type3A_70 = arith.extui %ge3A_69 : i1 to i32
        %cond3A_71 = arith.constant 0 : i32
        %cond3A_72 = arith.cmpi ne, %convert_element_type3A_70, %cond3A_71 : i32
        scf.if %cond3A_72 {
          %sub3A = arith.constant 4 : i32
          %sub3A_108 = arith.subi %add3A_67, %sub3A : i32
          %dma_wait3A = arith.constant 0 : i32
          %dma_wait3A_109 = tpu.memref_slice %arg8[%sub3A_108, %dma_wait3A] : memref<40x128xi32, #tpu.memory_space<vmem>> -> memref<1x128xi32, #tpu.memory_space<vmem>>
          %dma_wait3A_110 = tpu.memref_squeeze %dma_wait3A_109 : memref<1x128xi32, #tpu.memory_space<vmem>> -> memref<128xi32, #tpu.memory_space<vmem>>
          %dma_wait3A_111 = arith.constant 0 : i32
          %dma_wait3A_112 = arith.constant 0 : i32
          %dma_wait3A_113 = tpu.memref_slice %arg5[%dma_wait3A_111, %dma_wait3A_112] : memref<10240x64xbf16, #tpu.memory_space<vmem_shared>> -> memref<10240x64xbf16, #tpu.memory_space<vmem_shared>>
          tpu.wait_indirect_dma semaphore(%arg19 : memref<!tpu.dma_semaphore, #tpu.memory_space<semaphore_mem>>) src(%arg11 : memref<128x64xbf16, #tpu.memory_space<vmem>>) dst(%dma_wait3A_113 : memref<10240x64xbf16, #tpu.memory_space<vmem_shared>>)
        } else {
        }
        %lt3A_73 = arith.constant 40 : i32
        %lt3A_74 = arith.cmpi slt, %add3A_67, %lt3A_73 : i32
        %convert_element_type3A_75 = arith.extui %lt3A_74 : i1 to i32
        %cond3A_76 = arith.constant 0 : i32
        %cond3A_77 = arith.cmpi ne, %convert_element_type3A_75, %cond3A_76 : i32
        scf.if %cond3A_77 {
          %dma_start3A = arith.constant 0 : i32
          %dma_start3A_108 = tpu.memref_slice %arg7[%add3A_67, %dma_start3A] : memref<40x128xi32, #tpu.memory_space<vmem>> -> memref<1x128xi32, #tpu.memory_space<vmem>>
          %dma_start3A_109 = tpu.memref_squeeze %dma_start3A_108 : memref<1x128xi32, #tpu.memory_space<vmem>> -> memref<128xi32, #tpu.memory_space<vmem>>
          %dma_start3A_110 = arith.constant 0 : i32
          %dma_start3A_111 = arith.constant 0 : i32
          %dma_start3A_112 = tpu.memref_slice %arg6[%dma_start3A_110, %dma_start3A_111] : memref<10240x64xbf16, #tpu.memory_space<vmem_shared>> -> memref<10240x64xbf16, #tpu.memory_space<vmem_shared>>
          tpu.enqueue_indirect_dma source(%dma_start3A_112 : memref<10240x64xbf16, #tpu.memory_space<vmem_shared>>) target(%arg11 : memref<128x64xbf16, #tpu.memory_space<vmem>>) offsets(%dma_start3A_109 : memref<128xi32, #tpu.memory_space<vmem>>) semaphore(%arg15 : memref<!tpu.dma_semaphore, #tpu.memory_space<semaphore_mem>>)
        } else {
        }
        %ge3A_78 = arith.constant 2 : i32
        %ge3A_79 = arith.cmpi sge, %add3A_67, %ge3A_78 : i32
        %lt3A_80 = arith.constant 42 : i32
        %lt3A_81 = arith.cmpi slt, %add3A_67, %lt3A_80 : i32
        %and3A_82 = arith.andi %ge3A_79, %lt3A_81 : i1
        %convert_element_type3A_83 = arith.extui %and3A_82 : i1 to i32
        %cond3A_84 = arith.constant 0 : i32
        %cond3A_85 = arith.cmpi ne, %convert_element_type3A_83, %cond3A_84 : i32
        scf.if %cond3A_85 {
          %sub3A = arith.constant 2 : i32
          %sub3A_108 = arith.subi %add3A_67, %sub3A : i32
          %dma_wait3A = arith.constant 0 : i32
          %dma_wait3A_109 = tpu.memref_slice %arg7[%sub3A_108, %dma_wait3A] : memref<40x128xi32, #tpu.memory_space<vmem>> -> memref<1x128xi32, #tpu.memory_space<vmem>>
          %dma_wait3A_110 = tpu.memref_squeeze %dma_wait3A_109 : memref<1x128xi32, #tpu.memory_space<vmem>> -> memref<128xi32, #tpu.memory_space<vmem>>
          %dma_wait3A_111 = arith.constant 0 : i32
          %dma_wait3A_112 = arith.constant 0 : i32
          %dma_wait3A_113 = tpu.memref_slice %arg6[%dma_wait3A_111, %dma_wait3A_112] : memref<10240x64xbf16, #tpu.memory_space<vmem_shared>> -> memref<10240x64xbf16, #tpu.memory_space<vmem_shared>>
          tpu.wait_indirect_dma semaphore(%arg13 : memref<!tpu.dma_semaphore, #tpu.memory_space<semaphore_mem>>) src(%dma_wait3A_113 : memref<10240x64xbf16, #tpu.memory_space<vmem_shared>>) dst(%arg9 : memref<128x64xbf16, #tpu.memory_space<vmem>>)
          %sub3A_114 = arith.constant 2 : i32
          %sub3A_115 = arith.subi %add3A_67, %sub3A_114 : i32
          %dma_start3A = arith.constant 0 : i32
          %dma_start3A_116 = tpu.memref_slice %arg8[%sub3A_115, %dma_start3A] : memref<40x128xi32, #tpu.memory_space<vmem>> -> memref<1x128xi32, #tpu.memory_space<vmem>>
          %dma_start3A_117 = tpu.memref_squeeze %dma_start3A_116 : memref<1x128xi32, #tpu.memory_space<vmem>> -> memref<128xi32, #tpu.memory_space<vmem>>
          %dma_start3A_118 = arith.constant 0 : i32
          %dma_start3A_119 = arith.constant 0 : i32
          %dma_start3A_120 = tpu.memref_slice %arg5[%dma_start3A_118, %dma_start3A_119] : memref<10240x64xbf16, #tpu.memory_space<vmem_shared>> -> memref<10240x64xbf16, #tpu.memory_space<vmem_shared>>
          tpu.enqueue_indirect_dma source(%arg9 : memref<128x64xbf16, #tpu.memory_space<vmem>>) target(%dma_start3A_120 : memref<10240x64xbf16, #tpu.memory_space<vmem_shared>>) offsets(%dma_start3A_117 : memref<128xi32, #tpu.memory_space<vmem>>) semaphore(%arg17 : memref<!tpu.dma_semaphore, #tpu.memory_space<semaphore_mem>>) {add = true}
        } else {
        }
        %mul3A_86 = arith.constant 4 : i32
        %mul3A_87 = arith.muli %scan3A_24, %mul3A_86 : i32
        %add3A_88 = arith.constant 3 : i32
        %add3A_89 = arith.addi %mul3A_87, %add3A_88 : i32
        %ge3A_90 = arith.constant 4 : i32
        %ge3A_91 = arith.cmpi sge, %add3A_89, %ge3A_90 : i32
        %convert_element_type3A_92 = arith.extui %ge3A_91 : i1 to i32
        %cond3A_93 = arith.constant 0 : i32
        %cond3A_94 = arith.cmpi ne, %convert_element_type3A_92, %cond3A_93 : i32
        scf.if %cond3A_94 {
          %sub3A = arith.constant 4 : i32
          %sub3A_108 = arith.subi %add3A_89, %sub3A : i32
          %dma_wait3A = arith.constant 0 : i32
          %dma_wait3A_109 = tpu.memref_slice %arg8[%sub3A_108, %dma_wait3A] : memref<40x128xi32, #tpu.memory_space<vmem>> -> memref<1x128xi32, #tpu.memory_space<vmem>>
          %dma_wait3A_110 = tpu.memref_squeeze %dma_wait3A_109 : memref<1x128xi32, #tpu.memory_space<vmem>> -> memref<128xi32, #tpu.memory_space<vmem>>
          %dma_wait3A_111 = arith.constant 0 : i32
          %dma_wait3A_112 = arith.constant 0 : i32
          %dma_wait3A_113 = tpu.memref_slice %arg5[%dma_wait3A_111, %dma_wait3A_112] : memref<10240x64xbf16, #tpu.memory_space<vmem_shared>> -> memref<10240x64xbf16, #tpu.memory_space<vmem_shared>>
          tpu.wait_indirect_dma semaphore(%arg20 : memref<!tpu.dma_semaphore, #tpu.memory_space<semaphore_mem>>) src(%arg12 : memref<128x64xbf16, #tpu.memory_space<vmem>>) dst(%dma_wait3A_113 : memref<10240x64xbf16, #tpu.memory_space<vmem_shared>>)
        } else {
        }
        %lt3A_95 = arith.constant 40 : i32
        %lt3A_96 = arith.cmpi slt, %add3A_89, %lt3A_95 : i32
        %convert_element_type3A_97 = arith.extui %lt3A_96 : i1 to i32
        %cond3A_98 = arith.constant 0 : i32
        %cond3A_99 = arith.cmpi ne, %convert_element_type3A_97, %cond3A_98 : i32
        scf.if %cond3A_99 {
          %dma_start3A = arith.constant 0 : i32
          %dma_start3A_108 = tpu.memref_slice %arg7[%add3A_89, %dma_start3A] : memref<40x128xi32, #tpu.memory_space<vmem>> -> memref<1x128xi32, #tpu.memory_space<vmem>>
          %dma_start3A_109 = tpu.memref_squeeze %dma_start3A_108 : memref<1x128xi32, #tpu.memory_space<vmem>> -> memref<128xi32, #tpu.memory_space<vmem>>
          %dma_start3A_110 = arith.constant 0 : i32
          %dma_start3A_111 = arith.constant 0 : i32
          %dma_start3A_112 = tpu.memref_slice %arg6[%dma_start3A_110, %dma_start3A_111] : memref<10240x64xbf16, #tpu.memory_space<vmem_shared>> -> memref<10240x64xbf16, #tpu.memory_space<vmem_shared>>
          tpu.enqueue_indirect_dma source(%dma_start3A_112 : memref<10240x64xbf16, #tpu.memory_space<vmem_shared>>) target(%arg12 : memref<128x64xbf16, #tpu.memory_space<vmem>>) offsets(%dma_start3A_109 : memref<128xi32, #tpu.memory_space<vmem>>) semaphore(%arg16 : memref<!tpu.dma_semaphore, #tpu.memory_space<semaphore_mem>>)
        } else {
        }
        %ge3A_100 = arith.constant 2 : i32
        %ge3A_101 = arith.cmpi sge, %add3A_89, %ge3A_100 : i32
        %lt3A_102 = arith.constant 42 : i32
        %lt3A_103 = arith.cmpi slt, %add3A_89, %lt3A_102 : i32
        %and3A_104 = arith.andi %ge3A_101, %lt3A_103 : i1
        %convert_element_type3A_105 = arith.extui %and3A_104 : i1 to i32
        %cond3A_106 = arith.constant 0 : i32
        %cond3A_107 = arith.cmpi ne, %convert_element_type3A_105, %cond3A_106 : i32
        scf.if %cond3A_107 {
          %sub3A = arith.constant 2 : i32
          %sub3A_108 = arith.subi %add3A_89, %sub3A : i32
          %dma_wait3A = arith.constant 0 : i32
          %dma_wait3A_109 = tpu.memref_slice %arg7[%sub3A_108, %dma_wait3A] : memref<40x128xi32, #tpu.memory_space<vmem>> -> memref<1x128xi32, #tpu.memory_space<vmem>>
          %dma_wait3A_110 = tpu.memref_squeeze %dma_wait3A_109 : memref<1x128xi32, #tpu.memory_space<vmem>> -> memref<128xi32, #tpu.memory_space<vmem>>
          %dma_wait3A_111 = arith.constant 0 : i32
          %dma_wait3A_112 = arith.constant 0 : i32
          %dma_wait3A_113 = tpu.memref_slice %arg6[%dma_wait3A_111, %dma_wait3A_112] : memref<10240x64xbf16, #tpu.memory_space<vmem_shared>> -> memref<10240x64xbf16, #tpu.memory_space<vmem_shared>>
          tpu.wait_indirect_dma semaphore(%arg14 : memref<!tpu.dma_semaphore, #tpu.memory_space<semaphore_mem>>) src(%dma_wait3A_113 : memref<10240x64xbf16, #tpu.memory_space<vmem_shared>>) dst(%arg10 : memref<128x64xbf16, #tpu.memory_space<vmem>>)
          %sub3A_114 = arith.constant 2 : i32
          %sub3A_115 = arith.subi %add3A_89, %sub3A_114 : i32
          %dma_start3A = arith.constant 0 : i32
          %dma_start3A_116 = tpu.memref_slice %arg8[%sub3A_115, %dma_start3A] : memref<40x128xi32, #tpu.memory_space<vmem>> -> memref<1x128xi32, #tpu.memory_space<vmem>>
          %dma_start3A_117 = tpu.memref_squeeze %dma_start3A_116 : memref<1x128xi32, #tpu.memory_space<vmem>> -> memref<128xi32, #tpu.memory_space<vmem>>
          %dma_start3A_118 = arith.constant 0 : i32
          %dma_start3A_119 = arith.constant 0 : i32
          %dma_start3A_120 = tpu.memref_slice %arg5[%dma_start3A_118, %dma_start3A_119] : memref<10240x64xbf16, #tpu.memory_space<vmem_shared>> -> memref<10240x64xbf16, #tpu.memory_space<vmem_shared>>
          tpu.enqueue_indirect_dma source(%arg10 : memref<128x64xbf16, #tpu.memory_space<vmem>>) target(%dma_start3A_120 : memref<10240x64xbf16, #tpu.memory_space<vmem_shared>>) offsets(%dma_start3A_117 : memref<128xi32, #tpu.memory_space<vmem>>) semaphore(%arg18 : memref<!tpu.dma_semaphore, #tpu.memory_space<semaphore_mem>>) {add = true}
        } else {
        }
      }
      %scan3A_23 = arith.constant 11 : i32
    }
    %scan3A_9 = arith.constant 4 : i32
    %barrier3A_10 = arith.constant 0 : index
    tpu.barrier barrier_id(%barrier3A_10)
    %mul3A_11 = arith.constant 64 : i32
    %mul3A_12 = arith.muli %arg0, %mul3A_11 : i32
    "tpu.region"() ({
      %run_scoped3A = tpu.sem_alloc : memref<!tpu.dma_semaphore, #tpu.memory_space<semaphore_mem>>
      %dma_start3A = tpu.memref_slice %arg4[%mul3A_0, %mul3A_12] : memref<10000x128xbf16, #tpu.memory_space<hbm>> -> memref<625x64xbf16, #tpu.memory_space<hbm>>
      %dma_start3A_13 = arith.constant 0 : i32
      %dma_start3A_14 = tpu.memref_slice %arg5[%mul3A_0, %dma_start3A_13] : memref<10240x64xbf16, #tpu.memory_space<vmem_shared>> -> memref<625x64xbf16, #tpu.memory_space<vmem_shared>>
      tpu.enqueue_dma source(%dma_start3A_14 : memref<625x64xbf16, #tpu.memory_space<vmem_shared>>) target(%dma_start3A : memref<625x64xbf16, #tpu.memory_space<hbm>>) target_semaphore(%run_scoped3A : memref<!tpu.dma_semaphore, #tpu.memory_space<semaphore_mem>>)
      %dma_wait3A = tpu.memref_slice %arg4[%mul3A_0, %mul3A_12] : memref<10000x128xbf16, #tpu.memory_space<hbm>> -> memref<625x64xbf16, #tpu.memory_space<hbm>>
      %dma_wait3A_15 = arith.constant 0 : i32
      %dma_wait3A_16 = tpu.memref_slice %arg5[%mul3A_0, %dma_wait3A_15] : memref<10240x64xbf16, #tpu.memory_space<vmem_shared>> -> memref<625x64xbf16, #tpu.memory_space<vmem_shared>>
      tpu.wait_dma2 semaphore(%run_scoped3A : memref<!tpu.dma_semaphore, #tpu.memory_space<semaphore_mem>>) src(%dma_wait3A_16 : memref<625x64xbf16, #tpu.memory_space<vmem_shared>>) dst(%dma_wait3A : memref<625x64xbf16, #tpu.memory_space<hbm>>)
      tpu.yield
    }) : () -> ()
    return
  }
}

#map = affine_map<(d0, d1) -> (0, 0)>
#map1 = affine_map<(d0, d1) -> (0, 0, 0)>
module attributes {stable_mosaic.version = 14 : i64} {
  func.func @_scatter_body(%arg0: i32, %arg1: i32, %arg2: memref<10000x128xbf16, #tpu.memory_space<hbm>>, %arg3: memref<2x2560x128xi32, #tpu.memory_space<hbm>>, %arg4: memref<10000x128xbf16, #tpu.memory_space<hbm>>, %arg5: memref<10240x64xbf16, #tpu.memory_space<vmem_shared>>, %arg6: memref<10240x64xbf16, #tpu.memory_space<vmem_shared>>, %arg7: memref<40x128xi32, #tpu.memory_space<vmem>>, %arg8: memref<40x128xi32, #tpu.memory_space<vmem>>, %arg9: memref<128x64xbf16, #tpu.memory_space<vmem>>, %arg10: memref<128x64xbf16, #tpu.memory_space<vmem>>, %arg11: memref<128x64xbf16, #tpu.memory_space<vmem>>, %arg12: memref<128x64xbf16, #tpu.memory_space<vmem>>, %arg13: memref<!tpu.dma_semaphore, #tpu.memory_space<semaphore_mem>>, %arg14: memref<!tpu.dma_semaphore, #tpu.memory_space<semaphore_mem>>, %arg15: memref<!tpu.dma_semaphore, #tpu.memory_space<semaphore_mem>>, %arg16: memref<!tpu.dma_semaphore, #tpu.memory_space<semaphore_mem>>, %arg17: memref<!tpu.dma_semaphore, #tpu.memory_space<semaphore_mem>>, %arg18: memref<!tpu.dma_semaphore, #tpu.memory_space<semaphore_mem>>, %arg19: memref<!tpu.dma_semaphore, #tpu.memory_space<semaphore_mem>>, %arg20: memref<!tpu.dma_semaphore, #tpu.memory_space<semaphore_mem>>) attributes {dimension_semantics = [#tpu.dimension_semantics<core_parallel>, #tpu.dimension_semantics<subcore_parallel>], iteration_bounds = array<i64: 2, 16>, scalar_prefetch = 0 : i64, scratch_operands = 16 : i64, tpu.core_type = #tpu.core_type<sc_vector_subcore>, window_params = [{transform_indices = #map}, {transform_indices = #map1}, {transform_indices = #map}]} {
    %mul3A = arith.constant 625 : i32
    %mul3A_0 = arith.muli %arg1, %mul3A : i32
    %mul3A_1 = arith.constant 64 : i32
    %mul3A_2 = arith.muli %arg0, %mul3A_1 : i32
    "tpu.region"() ({
      %run_scoped3A = tpu.sem_alloc : memref<!tpu.dma_semaphore, #tpu.memory_space<semaphore_mem>>
      %dma_start3A = arith.constant 0 : i32
      %dma_start3A_13 = tpu.memref_slice %arg6[%mul3A_0, %dma_start3A] : memref<10240x64xbf16, #tpu.memory_space<vmem_shared>> -> memref<625x64xbf16, #tpu.memory_space<vmem_shared>>
      %dma_start3A_14 = tpu.memref_slice %arg2[%mul3A_0, %mul3A_2] : memref<10000x128xbf16, #tpu.memory_space<hbm>> -> memref<625x64xbf16, #tpu.memory_space<hbm>>
      tpu.enqueue_dma source(%dma_start3A_14 : memref<625x64xbf16, #tpu.memory_space<hbm>>) target(%dma_start3A_13 : memref<625x64xbf16, #tpu.memory_space<vmem_shared>>) target_semaphore(%run_scoped3A : memref<!tpu.dma_semaphore, #tpu.memory_space<semaphore_mem>>)
      %dma_wait3A = arith.constant 0 : i32
      %dma_wait3A_15 = tpu.memref_slice %arg6[%mul3A_0, %dma_wait3A] : memref<10240x64xbf16, #tpu.memory_space<vmem_shared>> -> memref<625x64xbf16, #tpu.memory_space<vmem_shared>>
      %dma_wait3A_16 = tpu.memref_slice %arg2[%mul3A_0, %mul3A_2] : memref<10000x128xbf16, #tpu.memory_space<hbm>> -> memref<625x64xbf16, #tpu.memory_space<hbm>>
      tpu.wait_dma2 semaphore(%run_scoped3A : memref<!tpu.dma_semaphore, #tpu.memory_space<semaphore_mem>>) src(%dma_wait3A_16 : memref<625x64xbf16, #tpu.memory_space<hbm>>) dst(%dma_wait3A_15 : memref<625x64xbf16, #tpu.memory_space<vmem_shared>>)
      tpu.yield
    }) : () -> ()
    %mul3A_3 = arith.constant 64 : i32
    %mul3A_4 = arith.muli %arg0, %mul3A_3 : i32
    "tpu.region"() ({
      %run_scoped3A = tpu.sem_alloc : memref<!tpu.dma_semaphore, #tpu.memory_space<semaphore_mem>>
      %dma_start3A = arith.constant 0 : i32
      %dma_start3A_13 = tpu.memref_slice %arg5[%mul3A_0, %dma_start3A] : memref<10240x64xbf16, #tpu.memory_space<vmem_shared>> -> memref<625x64xbf16, #tpu.memory_space<vmem_shared>>
      %dma_start3A_14 = tpu.memref_slice %arg2[%mul3A_0, %mul3A_4] : memref<10000x128xbf16, #tpu.memory_space<hbm>> -> memref<625x64xbf16, #tpu.memory_space<hbm>>
      tpu.enqueue_dma source(%dma_start3A_14 : memref<625x64xbf16, #tpu.memory_space<hbm>>) target(%dma_start3A_13 : memref<625x64xbf16, #tpu.memory_space<vmem_shared>>) target_semaphore(%run_scoped3A : memref<!tpu.dma_semaphore, #tpu.memory_space<semaphore_mem>>)
      %dma_wait3A = arith.constant 0 : i32
      %dma_wait3A_15 = tpu.memref_slice %arg5[%mul3A_0, %dma_wait3A] : memref<10240x64xbf16, #tpu.memory_space<vmem_shared>> -> memref<625x64xbf16, #tpu.memory_space<vmem_shared>>
      %dma_wait3A_16 = tpu.memref_slice %arg2[%mul3A_0, %mul3A_4] : memref<10000x128xbf16, #tpu.memory_space<hbm>> -> memref<625x64xbf16, #tpu.memory_space<hbm>>
      tpu.wait_dma2 semaphore(%run_scoped3A : memref<!tpu.dma_semaphore, #tpu.memory_space<semaphore_mem>>) src(%dma_wait3A_16 : memref<625x64xbf16, #tpu.memory_space<hbm>>) dst(%dma_wait3A_15 : memref<625x64xbf16, #tpu.memory_space<vmem_shared>>)
      tpu.yield
    }) : () -> ()
    %barrier3A = arith.constant 0 : index
    tpu.barrier barrier_id(%barrier3A)
    %scan3A = arith.constant 0 : i32
    %scan3A_5 = arith.constant 0 : i32
    %scan3A_6 = arith.constant 4 : i32
    %scan3A_7 = arith.addi %scan3A_5, %scan3A_6 : i32
    %scan3A_8 = arith.constant 1 : i32
    scf.for %scan3A_13 = %scan3A_5 to %scan3A_7 step %scan3A_8  : i32 {
      %mul3A_14 = arith.constant 160 : i32
      %mul3A_15 = arith.muli %arg1, %mul3A_14 : i32
      %mul3A_16 = arith.constant 40 : i32
      %mul3A_17 = arith.muli %scan3A_13, %mul3A_16 : i32
      %add3A = arith.addi %mul3A_15, %mul3A_17 : i32
      %run_scoped3A = arith.constant 0 : i32
      "tpu.region"() ({
        %run_scoped3A_24 = tpu.sem_alloc : memref<!tpu.dma_semaphore, #tpu.memory_space<semaphore_mem>>
        %dma_start3A = arith.constant 0 : i32
        %dma_start3A_25 = tpu.memref_slice %arg3[%run_scoped3A, %add3A, %dma_start3A] : memref<2x2560x128xi32, #tpu.memory_space<hbm>> -> memref<1x40x128xi32, #tpu.memory_space<hbm>>
        %dma_start3A_26 = tpu.memref_squeeze %dma_start3A_25 : memref<1x40x128xi32, #tpu.memory_space<hbm>> -> memref<40x128xi32, #tpu.memory_space<hbm>>
        %dma_start3A_27 = arith.constant 0 : i32
        %dma_start3A_28 = tpu.memref_slice %arg3[%run_scoped3A, %add3A, %dma_start3A_27] : memref<2x2560x128xi32, #tpu.memory_space<hbm>> -> memref<1x40x128xi32, #tpu.memory_space<hbm>>
        %dma_start3A_29 = tpu.memref_squeeze %dma_start3A_28 : memref<1x40x128xi32, #tpu.memory_space<hbm>> -> memref<40x128xi32, #tpu.memory_space<hbm>>
        tpu.enqueue_dma source(%dma_start3A_29 : memref<40x128xi32, #tpu.memory_space<hbm>>) target(%arg7 : memref<40x128xi32, #tpu.memory_space<vmem>>) target_semaphore(%run_scoped3A_24 : memref<!tpu.dma_semaphore, #tpu.memory_space<semaphore_mem>>)
        %dma_wait3A = arith.constant 0 : i32
        %dma_wait3A_30 = tpu.memref_slice %arg3[%run_scoped3A, %add3A, %dma_wait3A] : memref<2x2560x128xi32, #tpu.memory_space<hbm>> -> memref<1x40x128xi32, #tpu.memory_space<hbm>>
        %dma_wait3A_31 = tpu.memref_squeeze %dma_wait3A_30 : memref<1x40x128xi32, #tpu.memory_space<hbm>> -> memref<40x128xi32, #tpu.memory_space<hbm>>
        %dma_wait3A_32 = arith.constant 0 : i32
        %dma_wait3A_33 = tpu.memref_slice %arg3[%run_scoped3A, %add3A, %dma_wait3A_32] : memref<2x2560x128xi32, #tpu.memory_space<hbm>> -> memref<1x40x128xi32, #tpu.memory_space<hbm>>
        %dma_wait3A_34 = tpu.memref_squeeze %dma_wait3A_33 : memref<1x40x128xi32, #tpu.memory_space<hbm>> -> memref<40x128xi32, #tpu.memory_space<hbm>>
        tpu.wait_dma2 semaphore(%run_scoped3A_24 : memref<!tpu.dma_semaphore, #tpu.memory_space<semaphore_mem>>) src(%dma_wait3A_34 : memref<40x128xi32, #tpu.memory_space<hbm>>) dst(%arg7 : memref<40x128xi32, #tpu.memory_space<vmem>>)
        tpu.yield
      }) : () -> ()
      %run_scoped3A_18 = arith.constant 1 : i32
      "tpu.region"() ({
        %run_scoped3A_24 = tpu.sem_alloc : memref<!tpu.dma_semaphore, #tpu.memory_space<semaphore_mem>>
        %dma_start3A = arith.constant 0 : i32
        %dma_start3A_25 = tpu.memref_slice %arg3[%run_scoped3A_18, %add3A, %dma_start3A] : memref<2x2560x128xi32, #tpu.memory_space<hbm>> -> memref<1x40x128xi32, #tpu.memory_space<hbm>>
        %dma_start3A_26 = tpu.memref_squeeze %dma_start3A_25 : memref<1x40x128xi32, #tpu.memory_space<hbm>> -> memref<40x128xi32, #tpu.memory_space<hbm>>
        %dma_start3A_27 = arith.constant 0 : i32
        %dma_start3A_28 = tpu.memref_slice %arg3[%run_scoped3A_18, %add3A, %dma_start3A_27] : memref<2x2560x128xi32, #tpu.memory_space<hbm>> -> memref<1x40x128xi32, #tpu.memory_space<hbm>>
        %dma_start3A_29 = tpu.memref_squeeze %dma_start3A_28 : memref<1x40x128xi32, #tpu.memory_space<hbm>> -> memref<40x128xi32, #tpu.memory_space<hbm>>
        tpu.enqueue_dma source(%dma_start3A_29 : memref<40x128xi32, #tpu.memory_space<hbm>>) target(%arg8 : memref<40x128xi32, #tpu.memory_space<vmem>>) target_semaphore(%run_scoped3A_24 : memref<!tpu.dma_semaphore, #tpu.memory_space<semaphore_mem>>)
        %dma_wait3A = arith.constant 0 : i32
        %dma_wait3A_30 = tpu.memref_slice %arg3[%run_scoped3A_18, %add3A, %dma_wait3A] : memref<2x2560x128xi32, #tpu.memory_space<hbm>> -> memref<1x40x128xi32, #tpu.memory_space<hbm>>
        %dma_wait3A_31 = tpu.memref_squeeze %dma_wait3A_30 : memref<1x40x128xi32, #tpu.memory_space<hbm>> -> memref<40x128xi32, #tpu.memory_space<hbm>>
        %dma_wait3A_32 = arith.constant 0 : i32
        %dma_wait3A_33 = tpu.memref_slice %arg3[%run_scoped3A_18, %add3A, %dma_wait3A_32] : memref<2x2560x128xi32, #tpu.memory_space<hbm>> -> memref<1x40x128xi32, #tpu.memory_space<hbm>>
        %dma_wait3A_34 = tpu.memref_squeeze %dma_wait3A_33 : memref<1x40x128xi32, #tpu.memory_space<hbm>> -> memref<40x128xi32, #tpu.memory_space<hbm>>
        tpu.wait_dma2 semaphore(%run_scoped3A_24 : memref<!tpu.dma_semaphore, #tpu.memory_space<semaphore_mem>>) src(%dma_wait3A_34 : memref<40x128xi32, #tpu.memory_space<hbm>>) dst(%arg8 : memref<40x128xi32, #tpu.memory_space<vmem>>)
        tpu.yield
      }) : () -> ()
      %scan3A_19 = arith.constant 0 : i32
      %scan3A_20 = arith.constant 11 : i32
      %scan3A_21 = arith.addi %scan3A_19, %scan3A_20 : i32
      %scan3A_22 = arith.constant 1 : i32
      scf.for %scan3A_24 = %scan3A_19 to %scan3A_21 step %scan3A_22  : i32 {
        %mul3A_25 = arith.constant 4 : i32
        %mul3A_26 = arith.muli %scan3A_24, %mul3A_25 : i32
        %add3A_27 = arith.constant 0 : i32
        %add3A_28 = arith.addi %mul3A_26, %add3A_27 : i32
        %ge3A = arith.constant 4 : i32
        %ge3A_29 = arith.cmpi sge, %add3A_28, %ge3A : i32
        %convert_element_type3A = arith.extui %ge3A_29 : i1 to i32
        %cond3A = arith.constant 0 : i32
        %cond3A_30 = arith.cmpi ne, %convert_element_type3A, %cond3A : i32
        scf.if %cond3A_30 {
          %sub3A = arith.constant 4 : i32
          %sub3A_108 = arith.subi %add3A_28, %sub3A : i32
          %dma_wait3A = arith.constant 0 : i32
          %dma_wait3A_109 = tpu.memref_slice %arg8[%sub3A_108, %dma_wait3A] : memref<40x128xi32, #tpu.memory_space<vmem>> -> memref<1x128xi32, #tpu.memory_space<vmem>>
          %dma_wait3A_110 = tpu.memref_squeeze %dma_wait3A_109 : memref<1x128xi32, #tpu.memory_space<vmem>> -> memref<128xi32, #tpu.memory_space<vmem>>
          %dma_wait3A_111 = arith.constant 0 : i32
          %dma_wait3A_112 = arith.constant 0 : i32
          %dma_wait3A_113 = tpu.memref_slice %arg5[%dma_wait3A_111, %dma_wait3A_112] : memref<10240x64xbf16, #tpu.memory_space<vmem_shared>> -> memref<10240x64xbf16, #tpu.memory_space<vmem_shared>>
          tpu.wait_indirect_dma semaphore(%arg17 : memref<!tpu.dma_semaphore, #tpu.memory_space<semaphore_mem>>) src(%arg9 : memref<128x64xbf16, #tpu.memory_space<vmem>>) dst(%dma_wait3A_113 : memref<10240x64xbf16, #tpu.memory_space<vmem_shared>>)
        } else {
        }
        %lt3A = arith.constant 40 : i32
        %lt3A_31 = arith.cmpi slt, %add3A_28, %lt3A : i32
        %convert_element_type3A_32 = arith.extui %lt3A_31 : i1 to i32
        %cond3A_33 = arith.constant 0 : i32
        %cond3A_34 = arith.cmpi ne, %convert_element_type3A_32, %cond3A_33 : i32
        scf.if %cond3A_34 {
          %dma_start3A = arith.constant 0 : i32
          %dma_start3A_108 = tpu.memref_slice %arg7[%add3A_28, %dma_start3A] : memref<40x128xi32, #tpu.memory_space<vmem>> -> memref<1x128xi32, #tpu.memory_space<vmem>>
          %dma_start3A_109 = tpu.memref_squeeze %dma_start3A_108 : memref<1x128xi32, #tpu.memory_space<vmem>> -> memref<128xi32, #tpu.memory_space<vmem>>
          %dma_start3A_110 = arith.constant 0 : i32
          %dma_start3A_111 = arith.constant 0 : i32
          %dma_start3A_112 = tpu.memref_slice %arg6[%dma_start3A_110, %dma_start3A_111] : memref<10240x64xbf16, #tpu.memory_space<vmem_shared>> -> memref<10240x64xbf16, #tpu.memory_space<vmem_shared>>
          tpu.enqueue_indirect_dma source(%dma_start3A_112 : memref<10240x64xbf16, #tpu.memory_space<vmem_shared>>) target(%arg9 : memref<128x64xbf16, #tpu.memory_space<vmem>>) offsets(%dma_start3A_109 : memref<128xi32, #tpu.memory_space<vmem>>) semaphore(%arg13 : memref<!tpu.dma_semaphore, #tpu.memory_space<semaphore_mem>>)
        } else {
        }
        %ge3A_35 = arith.constant 2 : i32
        %ge3A_36 = arith.cmpi sge, %add3A_28, %ge3A_35 : i32
        %lt3A_37 = arith.constant 42 : i32
        %lt3A_38 = arith.cmpi slt, %add3A_28, %lt3A_37 : i32
        %and3A = arith.andi %ge3A_36, %lt3A_38 : i1
        %convert_element_type3A_39 = arith.extui %and3A : i1 to i32
        %cond3A_40 = arith.constant 0 : i32
        %cond3A_41 = arith.cmpi ne, %convert_element_type3A_39, %cond3A_40 : i32
        scf.if %cond3A_41 {
          %sub3A = arith.constant 2 : i32
          %sub3A_108 = arith.subi %add3A_28, %sub3A : i32
          %dma_wait3A = arith.constant 0 : i32
          %dma_wait3A_109 = tpu.memref_slice %arg7[%sub3A_108, %dma_wait3A] : memref<40x128xi32, #tpu.memory_space<vmem>> -> memref<1x128xi32, #tpu.memory_space<vmem>>
          %dma_wait3A_110 = tpu.memref_squeeze %dma_wait3A_109 : memref<1x128xi32, #tpu.memory_space<vmem>> -> memref<128xi32, #tpu.memory_space<vmem>>
          %dma_wait3A_111 = arith.constant 0 : i32
          %dma_wait3A_112 = arith.constant 0 : i32
          %dma_wait3A_113 = tpu.memref_slice %arg6[%dma_wait3A_111, %dma_wait3A_112] : memref<10240x64xbf16, #tpu.memory_space<vmem_shared>> -> memref<10240x64xbf16, #tpu.memory_space<vmem_shared>>
          tpu.wait_indirect_dma semaphore(%arg15 : memref<!tpu.dma_semaphore, #tpu.memory_space<semaphore_mem>>) src(%dma_wait3A_113 : memref<10240x64xbf16, #tpu.memory_space<vmem_shared>>) dst(%arg11 : memref<128x64xbf16, #tpu.memory_space<vmem>>)
          %sub3A_114 = arith.constant 2 : i32
          %sub3A_115 = arith.subi %add3A_28, %sub3A_114 : i32
          %dma_start3A = arith.constant 0 : i32
          %dma_start3A_116 = tpu.memref_slice %arg8[%sub3A_115, %dma_start3A] : memref<40x128xi32, #tpu.memory_space<vmem>> -> memref<1x128xi32, #tpu.memory_space<vmem>>
          %dma_start3A_117 = tpu.memref_squeeze %dma_start3A_116 : memref<1x128xi32, #tpu.memory_space<vmem>> -> memref<128xi32, #tpu.memory_space<vmem>>
          %dma_start3A_118 = arith.constant 0 : i32
          %dma_start3A_119 = arith.constant 0 : i32
          %dma_start3A_120 = tpu.memref_slice %arg5[%dma_start3A_118, %dma_start3A_119] : memref<10240x64xbf16, #tpu.memory_space<vmem_shared>> -> memref<10240x64xbf16, #tpu.memory_space<vmem_shared>>
          tpu.enqueue_indirect_dma source(%arg11 : memref<128x64xbf16, #tpu.memory_space<vmem>>) target(%dma_start3A_120 : memref<10240x64xbf16, #tpu.memory_space<vmem_shared>>) offsets(%dma_start3A_117 : memref<128xi32, #tpu.memory_space<vmem>>) semaphore(%arg19 : memref<!tpu.dma_semaphore, #tpu.memory_space<semaphore_mem>>) {add = true}
        } else {
        }
        %mul3A_42 = arith.constant 4 : i32
        %mul3A_43 = arith.muli %scan3A_24, %mul3A_42 : i32
        %add3A_44 = arith.constant 1 : i32
        %add3A_45 = arith.addi %mul3A_43, %add3A_44 : i32
        %ge3A_46 = arith.constant 4 : i32
        %ge3A_47 = arith.cmpi sge, %add3A_45, %ge3A_46 : i32
        %convert_element_type3A_48 = arith.extui %ge3A_47 : i1 to i32
        %cond3A_49 = arith.constant 0 : i32
        %cond3A_50 = arith.cmpi ne, %convert_element_type3A_48, %cond3A_49 : i32
        scf.if %cond3A_50 {
          %sub3A = arith.constant 4 : i32
          %sub3A_108 = arith.subi %add3A_45, %sub3A : i32
          %dma_wait3A = arith.constant 0 : i32
          %dma_wait3A_109 = tpu.memref_slice %arg8[%sub3A_108, %dma_wait3A] : memref<40x128xi32, #tpu.memory_space<vmem>> -> memref<1x128xi32, #tpu.memory_space<vmem>>
          %dma_wait3A_110 = tpu.memref_squeeze %dma_wait3A_109 : memref<1x128xi32, #tpu.memory_space<vmem>> -> memref<128xi32, #tpu.memory_space<vmem>>
          %dma_wait3A_111 = arith.constant 0 : i32
          %dma_wait3A_112 = arith.constant 0 : i32
          %dma_wait3A_113 = tpu.memref_slice %arg5[%dma_wait3A_111, %dma_wait3A_112] : memref<10240x64xbf16, #tpu.memory_space<vmem_shared>> -> memref<10240x64xbf16, #tpu.memory_space<vmem_shared>>
          tpu.wait_indirect_dma semaphore(%arg18 : memref<!tpu.dma_semaphore, #tpu.memory_space<semaphore_mem>>) src(%arg10 : memref<128x64xbf16, #tpu.memory_space<vmem>>) dst(%dma_wait3A_113 : memref<10240x64xbf16, #tpu.memory_space<vmem_shared>>)
        } else {
        }
        %lt3A_51 = arith.constant 40 : i32
        %lt3A_52 = arith.cmpi slt, %add3A_45, %lt3A_51 : i32
        %convert_element_type3A_53 = arith.extui %lt3A_52 : i1 to i32
        %cond3A_54 = arith.constant 0 : i32
        %cond3A_55 = arith.cmpi ne, %convert_element_type3A_53, %cond3A_54 : i32
        scf.if %cond3A_55 {
          %dma_start3A = arith.constant 0 : i32
          %dma_start3A_108 = tpu.memref_slice %arg7[%add3A_45, %dma_start3A] : memref<40x128xi32, #tpu.memory_space<vmem>> -> memref<1x128xi32, #tpu.memory_space<vmem>>
          %dma_start3A_109 = tpu.memref_squeeze %dma_start3A_108 : memref<1x128xi32, #tpu.memory_space<vmem>> -> memref<128xi32, #tpu.memory_space<vmem>>
          %dma_start3A_110 = arith.constant 0 : i32
          %dma_start3A_111 = arith.constant 0 : i32
          %dma_start3A_112 = tpu.memref_slice %arg6[%dma_start3A_110, %dma_start3A_111] : memref<10240x64xbf16, #tpu.memory_space<vmem_shared>> -> memref<10240x64xbf16, #tpu.memory_space<vmem_shared>>
          tpu.enqueue_indirect_dma source(%dma_start3A_112 : memref<10240x64xbf16, #tpu.memory_space<vmem_shared>>) target(%arg10 : memref<128x64xbf16, #tpu.memory_space<vmem>>) offsets(%dma_start3A_109 : memref<128xi32, #tpu.memory_space<vmem>>) semaphore(%arg14 : memref<!tpu.dma_semaphore, #tpu.memory_space<semaphore_mem>>)
        } else {
        }
        %ge3A_56 = arith.constant 2 : i32
        %ge3A_57 = arith.cmpi sge, %add3A_45, %ge3A_56 : i32
        %lt3A_58 = arith.constant 42 : i32
        %lt3A_59 = arith.cmpi slt, %add3A_45, %lt3A_58 : i32
        %and3A_60 = arith.andi %ge3A_57, %lt3A_59 : i1
        %convert_element_type3A_61 = arith.extui %and3A_60 : i1 to i32
        %cond3A_62 = arith.constant 0 : i32
        %cond3A_63 = arith.cmpi ne, %convert_element_type3A_61, %cond3A_62 : i32
        scf.if %cond3A_63 {
          %sub3A = arith.constant 2 : i32
          %sub3A_108 = arith.subi %add3A_45, %sub3A : i32
          %dma_wait3A = arith.constant 0 : i32
          %dma_wait3A_109 = tpu.memref_slice %arg7[%sub3A_108, %dma_wait3A] : memref<40x128xi32, #tpu.memory_space<vmem>> -> memref<1x128xi32, #tpu.memory_space<vmem>>
          %dma_wait3A_110 = tpu.memref_squeeze %dma_wait3A_109 : memref<1x128xi32, #tpu.memory_space<vmem>> -> memref<128xi32, #tpu.memory_space<vmem>>
          %dma_wait3A_111 = arith.constant 0 : i32
          %dma_wait3A_112 = arith.constant 0 : i32
          %dma_wait3A_113 = tpu.memref_slice %arg6[%dma_wait3A_111, %dma_wait3A_112] : memref<10240x64xbf16, #tpu.memory_space<vmem_shared>> -> memref<10240x64xbf16, #tpu.memory_space<vmem_shared>>
          tpu.wait_indirect_dma semaphore(%arg16 : memref<!tpu.dma_semaphore, #tpu.memory_space<semaphore_mem>>) src(%dma_wait3A_113 : memref<10240x64xbf16, #tpu.memory_space<vmem_shared>>) dst(%arg12 : memref<128x64xbf16, #tpu.memory_space<vmem>>)
          %sub3A_114 = arith.constant 2 : i32
          %sub3A_115 = arith.subi %add3A_45, %sub3A_114 : i32
          %dma_start3A = arith.constant 0 : i32
          %dma_start3A_116 = tpu.memref_slice %arg8[%sub3A_115, %dma_start3A] : memref<40x128xi32, #tpu.memory_space<vmem>> -> memref<1x128xi32, #tpu.memory_space<vmem>>
          %dma_start3A_117 = tpu.memref_squeeze %dma_start3A_116 : memref<1x128xi32, #tpu.memory_space<vmem>> -> memref<128xi32, #tpu.memory_space<vmem>>
          %dma_start3A_118 = arith.constant 0 : i32
          %dma_start3A_119 = arith.constant 0 : i32
          %dma_start3A_120 = tpu.memref_slice %arg5[%dma_start3A_118, %dma_start3A_119] : memref<10240x64xbf16, #tpu.memory_space<vmem_shared>> -> memref<10240x64xbf16, #tpu.memory_space<vmem_shared>>
          tpu.enqueue_indirect_dma source(%arg12 : memref<128x64xbf16, #tpu.memory_space<vmem>>) target(%dma_start3A_120 : memref<10240x64xbf16, #tpu.memory_space<vmem_shared>>) offsets(%dma_start3A_117 : memref<128xi32, #tpu.memory_space<vmem>>) semaphore(%arg20 : memref<!tpu.dma_semaphore, #tpu.memory_space<semaphore_mem>>) {add = true}
        } else {
        }
        %mul3A_64 = arith.constant 4 : i32
        %mul3A_65 = arith.muli %scan3A_24, %mul3A_64 : i32
        %add3A_66 = arith.constant 2 : i32
        %add3A_67 = arith.addi %mul3A_65, %add3A_66 : i32
        %ge3A_68 = arith.constant 4 : i32
        %ge3A_69 = arith.cmpi sge, %add3A_67, %ge3A_68 : i32
        %convert_element_type3A_70 = arith.extui %ge3A_69 : i1 to i32
        %cond3A_71 = arith.constant 0 : i32
        %cond3A_72 = arith.cmpi ne, %convert_element_type3A_70, %cond3A_71 : i32
        scf.if %cond3A_72 {
          %sub3A = arith.constant 4 : i32
          %sub3A_108 = arith.subi %add3A_67, %sub3A : i32
          %dma_wait3A = arith.constant 0 : i32
          %dma_wait3A_109 = tpu.memref_slice %arg8[%sub3A_108, %dma_wait3A] : memref<40x128xi32, #tpu.memory_space<vmem>> -> memref<1x128xi32, #tpu.memory_space<vmem>>
          %dma_wait3A_110 = tpu.memref_squeeze %dma_wait3A_109 : memref<1x128xi32, #tpu.memory_space<vmem>> -> memref<128xi32, #tpu.memory_space<vmem>>
          %dma_wait3A_111 = arith.constant 0 : i32
          %dma_wait3A_112 = arith.constant 0 : i32
          %dma_wait3A_113 = tpu.memref_slice %arg5[%dma_wait3A_111, %dma_wait3A_112] : memref<10240x64xbf16, #tpu.memory_space<vmem_shared>> -> memref<10240x64xbf16, #tpu.memory_space<vmem_shared>>
          tpu.wait_indirect_dma semaphore(%arg19 : memref<!tpu.dma_semaphore, #tpu.memory_space<semaphore_mem>>) src(%arg11 : memref<128x64xbf16, #tpu.memory_space<vmem>>) dst(%dma_wait3A_113 : memref<10240x64xbf16, #tpu.memory_space<vmem_shared>>)
        } else {
        }
        %lt3A_73 = arith.constant 40 : i32
        %lt3A_74 = arith.cmpi slt, %add3A_67, %lt3A_73 : i32
        %convert_element_type3A_75 = arith.extui %lt3A_74 : i1 to i32
        %cond3A_76 = arith.constant 0 : i32
        %cond3A_77 = arith.cmpi ne, %convert_element_type3A_75, %cond3A_76 : i32
        scf.if %cond3A_77 {
          %dma_start3A = arith.constant 0 : i32
          %dma_start3A_108 = tpu.memref_slice %arg7[%add3A_67, %dma_start3A] : memref<40x128xi32, #tpu.memory_space<vmem>> -> memref<1x128xi32, #tpu.memory_space<vmem>>
          %dma_start3A_109 = tpu.memref_squeeze %dma_start3A_108 : memref<1x128xi32, #tpu.memory_space<vmem>> -> memref<128xi32, #tpu.memory_space<vmem>>
          %dma_start3A_110 = arith.constant 0 : i32
          %dma_start3A_111 = arith.constant 0 : i32
          %dma_start3A_112 = tpu.memref_slice %arg6[%dma_start3A_110, %dma_start3A_111] : memref<10240x64xbf16, #tpu.memory_space<vmem_shared>> -> memref<10240x64xbf16, #tpu.memory_space<vmem_shared>>
          tpu.enqueue_indirect_dma source(%dma_start3A_112 : memref<10240x64xbf16, #tpu.memory_space<vmem_shared>>) target(%arg11 : memref<128x64xbf16, #tpu.memory_space<vmem>>) offsets(%dma_start3A_109 : memref<128xi32, #tpu.memory_space<vmem>>) semaphore(%arg15 : memref<!tpu.dma_semaphore, #tpu.memory_space<semaphore_mem>>)
        } else {
        }
        %ge3A_78 = arith.constant 2 : i32
        %ge3A_79 = arith.cmpi sge, %add3A_67, %ge3A_78 : i32
        %lt3A_80 = arith.constant 42 : i32
        %lt3A_81 = arith.cmpi slt, %add3A_67, %lt3A_80 : i32
        %and3A_82 = arith.andi %ge3A_79, %lt3A_81 : i1
        %convert_element_type3A_83 = arith.extui %and3A_82 : i1 to i32
        %cond3A_84 = arith.constant 0 : i32
        %cond3A_85 = arith.cmpi ne, %convert_element_type3A_83, %cond3A_84 : i32
        scf.if %cond3A_85 {
          %sub3A = arith.constant 2 : i32
          %sub3A_108 = arith.subi %add3A_67, %sub3A : i32
          %dma_wait3A = arith.constant 0 : i32
          %dma_wait3A_109 = tpu.memref_slice %arg7[%sub3A_108, %dma_wait3A] : memref<40x128xi32, #tpu.memory_space<vmem>> -> memref<1x128xi32, #tpu.memory_space<vmem>>
          %dma_wait3A_110 = tpu.memref_squeeze %dma_wait3A_109 : memref<1x128xi32, #tpu.memory_space<vmem>> -> memref<128xi32, #tpu.memory_space<vmem>>
          %dma_wait3A_111 = arith.constant 0 : i32
          %dma_wait3A_112 = arith.constant 0 : i32
          %dma_wait3A_113 = tpu.memref_slice %arg6[%dma_wait3A_111, %dma_wait3A_112] : memref<10240x64xbf16, #tpu.memory_space<vmem_shared>> -> memref<10240x64xbf16, #tpu.memory_space<vmem_shared>>
          tpu.wait_indirect_dma semaphore(%arg13 : memref<!tpu.dma_semaphore, #tpu.memory_space<semaphore_mem>>) src(%dma_wait3A_113 : memref<10240x64xbf16, #tpu.memory_space<vmem_shared>>) dst(%arg9 : memref<128x64xbf16, #tpu.memory_space<vmem>>)
          %sub3A_114 = arith.constant 2 : i32
          %sub3A_115 = arith.subi %add3A_67, %sub3A_114 : i32
          %dma_start3A = arith.constant 0 : i32
          %dma_start3A_116 = tpu.memref_slice %arg8[%sub3A_115, %dma_start3A] : memref<40x128xi32, #tpu.memory_space<vmem>> -> memref<1x128xi32, #tpu.memory_space<vmem>>
          %dma_start3A_117 = tpu.memref_squeeze %dma_start3A_116 : memref<1x128xi32, #tpu.memory_space<vmem>> -> memref<128xi32, #tpu.memory_space<vmem>>
          %dma_start3A_118 = arith.constant 0 : i32
          %dma_start3A_119 = arith.constant 0 : i32
          %dma_start3A_120 = tpu.memref_slice %arg5[%dma_start3A_118, %dma_start3A_119] : memref<10240x64xbf16, #tpu.memory_space<vmem_shared>> -> memref<10240x64xbf16, #tpu.memory_space<vmem_shared>>
          tpu.enqueue_indirect_dma source(%arg9 : memref<128x64xbf16, #tpu.memory_space<vmem>>) target(%dma_start3A_120 : memref<10240x64xbf16, #tpu.memory_space<vmem_shared>>) offsets(%dma_start3A_117 : memref<128xi32, #tpu.memory_space<vmem>>) semaphore(%arg17 : memref<!tpu.dma_semaphore, #tpu.memory_space<semaphore_mem>>) {add = true}
        } else {
        }
        %mul3A_86 = arith.constant 4 : i32
        %mul3A_87 = arith.muli %scan3A_24, %mul3A_86 : i32
        %add3A_88 = arith.constant 3 : i32
        %add3A_89 = arith.addi %mul3A_87, %add3A_88 : i32
        %ge3A_90 = arith.constant 4 : i32
        %ge3A_91 = arith.cmpi sge, %add3A_89, %ge3A_90 : i32
        %convert_element_type3A_92 = arith.extui %ge3A_91 : i1 to i32
        %cond3A_93 = arith.constant 0 : i32
        %cond3A_94 = arith.cmpi ne, %convert_element_type3A_92, %cond3A_93 : i32
        scf.if %cond3A_94 {
          %sub3A = arith.constant 4 : i32
          %sub3A_108 = arith.subi %add3A_89, %sub3A : i32
          %dma_wait3A = arith.constant 0 : i32
          %dma_wait3A_109 = tpu.memref_slice %arg8[%sub3A_108, %dma_wait3A] : memref<40x128xi32, #tpu.memory_space<vmem>> -> memref<1x128xi32, #tpu.memory_space<vmem>>
          %dma_wait3A_110 = tpu.memref_squeeze %dma_wait3A_109 : memref<1x128xi32, #tpu.memory_space<vmem>> -> memref<128xi32, #tpu.memory_space<vmem>>
          %dma_wait3A_111 = arith.constant 0 : i32
          %dma_wait3A_112 = arith.constant 0 : i32
          %dma_wait3A_113 = tpu.memref_slice %arg5[%dma_wait3A_111, %dma_wait3A_112] : memref<10240x64xbf16, #tpu.memory_space<vmem_shared>> -> memref<10240x64xbf16, #tpu.memory_space<vmem_shared>>
          tpu.wait_indirect_dma semaphore(%arg20 : memref<!tpu.dma_semaphore, #tpu.memory_space<semaphore_mem>>) src(%arg12 : memref<128x64xbf16, #tpu.memory_space<vmem>>) dst(%dma_wait3A_113 : memref<10240x64xbf16, #tpu.memory_space<vmem_shared>>)
        } else {
        }
        %lt3A_95 = arith.constant 40 : i32
        %lt3A_96 = arith.cmpi slt, %add3A_89, %lt3A_95 : i32
        %convert_element_type3A_97 = arith.extui %lt3A_96 : i1 to i32
        %cond3A_98 = arith.constant 0 : i32
        %cond3A_99 = arith.cmpi ne, %convert_element_type3A_97, %cond3A_98 : i32
        scf.if %cond3A_99 {
          %dma_start3A = arith.constant 0 : i32
          %dma_start3A_108 = tpu.memref_slice %arg7[%add3A_89, %dma_start3A] : memref<40x128xi32, #tpu.memory_space<vmem>> -> memref<1x128xi32, #tpu.memory_space<vmem>>
          %dma_start3A_109 = tpu.memref_squeeze %dma_start3A_108 : memref<1x128xi32, #tpu.memory_space<vmem>> -> memref<128xi32, #tpu.memory_space<vmem>>
          %dma_start3A_110 = arith.constant 0 : i32
          %dma_start3A_111 = arith.constant 0 : i32
          %dma_start3A_112 = tpu.memref_slice %arg6[%dma_start3A_110, %dma_start3A_111] : memref<10240x64xbf16, #tpu.memory_space<vmem_shared>> -> memref<10240x64xbf16, #tpu.memory_space<vmem_shared>>
          tpu.enqueue_indirect_dma source(%dma_start3A_112 : memref<10240x64xbf16, #tpu.memory_space<vmem_shared>>) target(%arg12 : memref<128x64xbf16, #tpu.memory_space<vmem>>) offsets(%dma_start3A_109 : memref<128xi32, #tpu.memory_space<vmem>>) semaphore(%arg16 : memref<!tpu.dma_semaphore, #tpu.memory_space<semaphore_mem>>)
        } else {
        }
        %ge3A_100 = arith.constant 2 : i32
        %ge3A_101 = arith.cmpi sge, %add3A_89, %ge3A_100 : i32
        %lt3A_102 = arith.constant 42 : i32
        %lt3A_103 = arith.cmpi slt, %add3A_89, %lt3A_102 : i32
        %and3A_104 = arith.andi %ge3A_101, %lt3A_103 : i1
        %convert_element_type3A_105 = arith.extui %and3A_104 : i1 to i32
        %cond3A_106 = arith.constant 0 : i32
        %cond3A_107 = arith.cmpi ne, %convert_element_type3A_105, %cond3A_106 : i32
        scf.if %cond3A_107 {
          %sub3A = arith.constant 2 : i32
          %sub3A_108 = arith.subi %add3A_89, %sub3A : i32
          %dma_wait3A = arith.constant 0 : i32
          %dma_wait3A_109 = tpu.memref_slice %arg7[%sub3A_108, %dma_wait3A] : memref<40x128xi32, #tpu.memory_space<vmem>> -> memref<1x128xi32, #tpu.memory_space<vmem>>
          %dma_wait3A_110 = tpu.memref_squeeze %dma_wait3A_109 : memref<1x128xi32, #tpu.memory_space<vmem>> -> memref<128xi32, #tpu.memory_space<vmem>>
          %dma_wait3A_111 = arith.constant 0 : i32
          %dma_wait3A_112 = arith.constant 0 : i32
          %dma_wait3A_113 = tpu.memref_slice %arg6[%dma_wait3A_111, %dma_wait3A_112] : memref<10240x64xbf16, #tpu.memory_space<vmem_shared>> -> memref<10240x64xbf16, #tpu.memory_space<vmem_shared>>
          tpu.wait_indirect_dma semaphore(%arg14 : memref<!tpu.dma_semaphore, #tpu.memory_space<semaphore_mem>>) src(%dma_wait3A_113 : memref<10240x64xbf16, #tpu.memory_space<vmem_shared>>) dst(%arg10 : memref<128x64xbf16, #tpu.memory_space<vmem>>)
          %sub3A_114 = arith.constant 2 : i32
          %sub3A_115 = arith.subi %add3A_89, %sub3A_114 : i32
          %dma_start3A = arith.constant 0 : i32
          %dma_start3A_116 = tpu.memref_slice %arg8[%sub3A_115, %dma_start3A] : memref<40x128xi32, #tpu.memory_space<vmem>> -> memref<1x128xi32, #tpu.memory_space<vmem>>
          %dma_start3A_117 = tpu.memref_squeeze %dma_start3A_116 : memref<1x128xi32, #tpu.memory_space<vmem>> -> memref<128xi32, #tpu.memory_space<vmem>>
          %dma_start3A_118 = arith.constant 0 : i32
          %dma_start3A_119 = arith.constant 0 : i32
          %dma_start3A_120 = tpu.memref_slice %arg5[%dma_start3A_118, %dma_start3A_119] : memref<10240x64xbf16, #tpu.memory_space<vmem_shared>> -> memref<10240x64xbf16, #tpu.memory_space<vmem_shared>>
          tpu.enqueue_indirect_dma source(%arg10 : memref<128x64xbf16, #tpu.memory_space<vmem>>) target(%dma_start3A_120 : memref<10240x64xbf16, #tpu.memory_space<vmem_shared>>) offsets(%dma_start3A_117 : memref<128xi32, #tpu.memory_space<vmem>>) semaphore(%arg18 : memref<!tpu.dma_semaphore, #tpu.memory_space<semaphore_mem>>) {add = true}
        } else {
        }
      }
      %scan3A_23 = arith.constant 11 : i32
    }
    %scan3A_9 = arith.constant 4 : i32
    %barrier3A_10 = arith.constant 0 : index
    tpu.barrier barrier_id(%barrier3A_10)
    %mul3A_11 = arith.constant 64 : i32
    %mul3A_12 = arith.muli %arg0, %mul3A_11 : i32
    "tpu.region"() ({
      %run_scoped3A = tpu.sem_alloc : memref<!tpu.dma_semaphore, #tpu.memory_space<semaphore_mem>>
      %dma_start3A = tpu.memref_slice %arg4[%mul3A_0, %mul3A_12] : memref<10000x128xbf16, #tpu.memory_space<hbm>> -> memref<625x64xbf16, #tpu.memory_space<hbm>>
      %dma_start3A_13 = arith.constant 0 : i32
      %dma_start3A_14 = tpu.memref_slice %arg5[%mul3A_0, %dma_start3A_13] : memref<10240x64xbf16, #tpu.memory_space<vmem_shared>> -> memref<625x64xbf16, #tpu.memory_space<vmem_shared>>
      tpu.enqueue_dma source(%dma_start3A_14 : memref<625x64xbf16, #tpu.memory_space<vmem_shared>>) target(%dma_start3A : memref<625x64xbf16, #tpu.memory_space<hbm>>) target_semaphore(%run_scoped3A : memref<!tpu.dma_semaphore, #tpu.memory_space<semaphore_mem>>)
      %dma_wait3A = tpu.memref_slice %arg4[%mul3A_0, %mul3A_12] : memref<10000x128xbf16, #tpu.memory_space<hbm>> -> memref<625x64xbf16, #tpu.memory_space<hbm>>
      %dma_wait3A_15 = arith.constant 0 : i32
      %dma_wait3A_16 = tpu.memref_slice %arg5[%mul3A_0, %dma_wait3A_15] : memref<10240x64xbf16, #tpu.memory_space<vmem_shared>> -> memref<625x64xbf16, #tpu.memory_space<vmem_shared>>
      tpu.wait_dma2 semaphore(%run_scoped3A : memref<!tpu.dma_semaphore, #tpu.memory_space<semaphore_mem>>) src(%dma_wait3A_16 : memref<625x64xbf16, #tpu.memory_space<vmem_shared>>) dst(%dma_wait3A : memref<625x64xbf16, #tpu.memory_space<hbm>>)
      tpu.yield
    }) : () -> ()
    return
  }
}

module attributes {stable_mosaic.version = 14 : i64} {
  func.func @_dis_body(%arg0: memref<79x128xf32, #tpu.memory_space<vmem>>, %arg1: memref<79x128xf32, #tpu.memory_space<vmem>>, %arg2: memref<79x128xf32, #tpu.memory_space<vmem>>) attributes {dimension_semantics = [], scalar_prefetch = 0 : i64, scratch_operands = 0 : i64, tpu.core_type = #tpu.core_type<tc>} {
    %get3A = arith.constant 0 : index
    %get3A_0 = arith.constant 0 : index
    %get3A_1 = vector.load %arg0[%get3A, %get3A_0] : memref<79x128xf32, #tpu.memory_space<vmem>>, vector<79x128xf32>
    %get3A_2 = arith.constant 0 : index
    %get3A_3 = arith.constant 0 : index
    %get3A_4 = vector.load %arg1[%get3A_2, %get3A_3] : memref<79x128xf32, #tpu.memory_space<vmem>>, vector<79x128xf32>
    %add3A = arith.addf %get3A_1, %get3A_4 : vector<79x128xf32>
    %add3A_5 = arith.constant 1.000000e+00 : f32
    %add3A_6 = vector.broadcast %add3A_5 : f32 to vector<79x128xf32>
    %add3A_7 = arith.addf %add3A, %add3A_6 : vector<79x128xf32>
    %rsqrt3A = math.rsqrt %add3A_7 : vector<79x128xf32>
    %swap3A = arith.constant 0 : index
    %swap3A_8 = arith.constant 0 : index
    %swap3A_9 = vector.load %arg2[%swap3A, %swap3A_8] : memref<79x128xf32, #tpu.memory_space<vmem>>, vector<79x128xf32>
    tpu.vector_store %arg2[%swap3A, %swap3A_8], %rsqrt3A {strides = array<i32>} : memref<79x128xf32, #tpu.memory_space<vmem>>, vector<79x128xf32>,
    return
  }
}

module attributes {stable_mosaic.version = 14 : i64} {
  func.func @_mm_scale_body(%arg0: memref<10000x128xf32, #tpu.memory_space<vmem>>, %arg1: memref<128x128xf32, #tpu.memory_space<vmem>>, %arg2: memref<10000x1xf32, #tpu.memory_space<vmem>>, %arg3: memref<10000x128xbf16, #tpu.memory_space<vmem>>) attributes {dimension_semantics = [], scalar_prefetch = 0 : i64, scratch_operands = 0 : i64, tpu.core_type = #tpu.core_type<tc>} {
    %get3A = arith.constant 0 : index
    %get3A_0 = arith.constant 0 : index
    %get3A_1 = vector.load %arg0[%get3A, %get3A_0] : memref<10000x128xf32, #tpu.memory_space<vmem>>, vector<10000x128xf32>
    %get3A_2 = arith.constant 0 : index
    %get3A_3 = arith.constant 0 : index
    %get3A_4 = vector.load %arg1[%get3A_2, %get3A_3] : memref<128x128xf32, #tpu.memory_space<vmem>>, vector<128x128xf32>
    %dot_general3A = arith.constant dense<0.000000e+00> : vector<10000x128xf32>
    %dot_general3A_5 = tpu.matmul %get3A_1, %get3A_4, %dot_general3A {dimension_numbers = #tpu.dot_dimension_numbers<[1], [0], [0], [1], [0, 0, 1, 1], [], []>, transpose_lhs_hint = false} : vector<10000x128xf32>, vector<128x128xf32>, vector<10000x128xf32> -> vector<10000x128xf32>
    %get3A_6 = arith.constant 0 : index
    %get3A_7 = arith.constant 0 : index
    %get3A_8 = vector.load %arg2[%get3A_6, %get3A_7] : memref<10000x1xf32, #tpu.memory_space<vmem>>, vector<10000x1xf32>
    %mul3A = vector.broadcast %get3A_8 : vector<10000x1xf32> to vector<10000x128xf32>
    %mul3A_9 = arith.mulf %dot_general3A_5, %mul3A : vector<10000x128xf32>
    %convert_element_type3A = arith.truncf %mul3A_9 : vector<10000x128xf32> to vector<10000x128xbf16>
    %swap3A = arith.constant 0 : index
    %swap3A_10 = arith.constant 0 : index
    %swap3A_11 = vector.load %arg3[%swap3A, %swap3A_10] : memref<10000x128xbf16, #tpu.memory_space<vmem>>, vector<10000x128xbf16>
    tpu.vector_store %arg3[%swap3A, %swap3A_10], %convert_element_type3A {strides = array<i32>} : memref<10000x128xbf16, #tpu.memory_space<vmem>>, vector<10000x128xbf16>,
    return
  }
}

module attributes {stable_mosaic.version = 14 : i64} {
  func.func @_layer2_body(%arg0: memref<10000x128xbf16, #tpu.memory_space<vmem>>, %arg1: memref<10000x1xf32, #tpu.memory_space<vmem>>, %arg2: memref<1x128xf32, #tpu.memory_space<vmem>>, %arg3: memref<128x128xf32, #tpu.memory_space<vmem>>, %arg4: memref<10000x128xbf16, #tpu.memory_space<vmem>>) attributes {dimension_semantics = [], scalar_prefetch = 0 : i64, scratch_operands = 0 : i64, tpu.core_type = #tpu.core_type<tc>} {
    %get3A = arith.constant 0 : index
    %get3A_0 = arith.constant 0 : index
    %get3A_1 = vector.load %arg0[%get3A, %get3A_0] : memref<10000x128xbf16, #tpu.memory_space<vmem>>, vector<10000x128xbf16>
    %convert_element_type3A = arith.extf %get3A_1 : vector<10000x128xbf16> to vector<10000x128xf32>
    %get3A_2 = arith.constant 0 : index
    %get3A_3 = arith.constant 0 : index
    %get3A_4 = vector.load %arg1[%get3A_2, %get3A_3] : memref<10000x1xf32, #tpu.memory_space<vmem>>, vector<10000x1xf32>
    %mul3A = vector.broadcast %get3A_4 : vector<10000x1xf32> to vector<10000x128xf32>
    %mul3A_5 = arith.mulf %convert_element_type3A, %mul3A : vector<10000x128xf32>
    %get3A_6 = arith.constant 0 : index
    %get3A_7 = arith.constant 0 : index
    %get3A_8 = vector.load %arg2[%get3A_6, %get3A_7] : memref<1x128xf32, #tpu.memory_space<vmem>>, vector<1x128xf32>
    %add3A = vector.broadcast %get3A_8 : vector<1x128xf32> to vector<10000x128xf32>
    %add3A_9 = arith.addf %mul3A_5, %add3A : vector<10000x128xf32>
    %max3A = arith.constant 0.000000e+00 : f32
    %max3A_10 = vector.broadcast %max3A : f32 to vector<10000x128xf32>
    %max3A_11 = arith.maximumf %add3A_9, %max3A_10 : vector<10000x128xf32>
    %get3A_12 = arith.constant 0 : index
    %get3A_13 = arith.constant 0 : index
    %get3A_14 = vector.load %arg3[%get3A_12, %get3A_13] : memref<128x128xf32, #tpu.memory_space<vmem>>, vector<128x128xf32>
    %dot_general3A = arith.constant dense<0.000000e+00> : vector<10000x128xf32>
    %dot_general3A_15 = tpu.matmul %max3A_11, %get3A_14, %dot_general3A {dimension_numbers = #tpu.dot_dimension_numbers<[1], [0], [0], [1], [0, 0, 1, 1], [], []>, transpose_lhs_hint = false} : vector<10000x128xf32>, vector<128x128xf32>, vector<10000x128xf32> -> vector<10000x128xf32>
    %get3A_16 = arith.constant 0 : index
    %get3A_17 = arith.constant 0 : index
    %get3A_18 = vector.load %arg1[%get3A_16, %get3A_17] : memref<10000x1xf32, #tpu.memory_space<vmem>>, vector<10000x1xf32>
    %mul3A_19 = vector.broadcast %get3A_18 : vector<10000x1xf32> to vector<10000x128xf32>
    %mul3A_20 = arith.mulf %dot_general3A_15, %mul3A_19 : vector<10000x128xf32>
    %convert_element_type3A_21 = arith.truncf %mul3A_20 : vector<10000x128xf32> to vector<10000x128xbf16>
    %swap3A = arith.constant 0 : index
    %swap3A_22 = arith.constant 0 : index
    %swap3A_23 = vector.load %arg4[%swap3A, %swap3A_22] : memref<10000x128xbf16, #tpu.memory_space<vmem>>, vector<10000x128xbf16>
    tpu.vector_store %arg4[%swap3A, %swap3A_22], %convert_element_type3A_21 {strides = array<i32>} : memref<10000x128xbf16, #tpu.memory_space<vmem>>, vector<10000x128xbf16>,
    return
  }
}

module attributes {stable_mosaic.version = 14 : i64} {
  func.func @_final_body(%arg0: memref<10000x128xbf16, #tpu.memory_space<vmem>>, %arg1: memref<10000x1xf32, #tpu.memory_space<vmem>>, %arg2: memref<1x128xf32, #tpu.memory_space<vmem>>, %arg3: memref<128x128xf32, #tpu.memory_space<vmem>>, %arg4: memref<1x128xf32, #tpu.memory_space<vmem>>, %arg5: memref<1x128xf32, #tpu.memory_space<vmem>>) attributes {dimension_semantics = [], scalar_prefetch = 0 : i64, scratch_operands = 0 : i64, tpu.core_type = #tpu.core_type<tc>} {
    %get3A = arith.constant 0 : index
    %get3A_0 = arith.constant 0 : index
    %get3A_1 = vector.load %arg0[%get3A, %get3A_0] : memref<10000x128xbf16, #tpu.memory_space<vmem>>, vector<10000x128xbf16>
    %convert_element_type3A = arith.extf %get3A_1 : vector<10000x128xbf16> to vector<10000x128xf32>
    %get3A_2 = arith.constant 0 : index
    %get3A_3 = arith.constant 0 : index
    %get3A_4 = vector.load %arg1[%get3A_2, %get3A_3] : memref<10000x1xf32, #tpu.memory_space<vmem>>, vector<10000x1xf32>
    %mul3A = vector.broadcast %get3A_4 : vector<10000x1xf32> to vector<10000x128xf32>
    %mul3A_5 = arith.mulf %convert_element_type3A, %mul3A : vector<10000x128xf32>
    %get3A_6 = arith.constant 0 : index
    %get3A_7 = arith.constant 0 : index
    %get3A_8 = vector.load %arg2[%get3A_6, %get3A_7] : memref<1x128xf32, #tpu.memory_space<vmem>>, vector<1x128xf32>
    %add3A = vector.broadcast %get3A_8 : vector<1x128xf32> to vector<10000x128xf32>
    %add3A_9 = arith.addf %mul3A_5, %add3A : vector<10000x128xf32>
    %max3A = arith.constant 0.000000e+00 : f32
    %max3A_10 = vector.broadcast %max3A : f32 to vector<10000x128xf32>
    %max3A_11 = arith.maximumf %add3A_9, %max3A_10 : vector<10000x128xf32>
    %reduce_sum3A = arith.constant dense<0.000000e+00> : vector<128xf32>
    %reduce_sum3A_12 = vector.multi_reduction <add>, %max3A_11, %reduce_sum3A [0] : vector<10000x128xf32> to vector<128xf32>
    %broadcast_in_dim3A = vector.shape_cast %reduce_sum3A_12 : vector<128xf32> to vector<1x128xf32>
    %mul3A_13 = arith.constant 9.99999974E-5 : f32
    %mul3A_14 = vector.broadcast %mul3A_13 : f32 to vector<1x128xf32>
    %mul3A_15 = arith.mulf %broadcast_in_dim3A, %mul3A_14 : vector<1x128xf32>
    %get3A_16 = arith.constant 0 : index
    %get3A_17 = arith.constant 0 : index
    %get3A_18 = vector.load %arg3[%get3A_16, %get3A_17] : memref<128x128xf32, #tpu.memory_space<vmem>>, vector<128x128xf32>
    %dot_general3A = arith.constant dense<0.000000e+00> : vector<1x128xf32>
    %dot_general3A_19 = tpu.matmul %mul3A_15, %get3A_18, %dot_general3A {dimension_numbers = #tpu.dot_dimension_numbers<[1], [0], [0], [1], [0, 0, 1, 1], [], []>, transpose_lhs_hint = false} : vector<1x128xf32>, vector<128x128xf32>, vector<1x128xf32> -> vector<1x128xf32>
    %get3A_20 = arith.constant 0 : index
    %get3A_21 = arith.constant 0 : index
    %get3A_22 = vector.load %arg4[%get3A_20, %get3A_21] : memref<1x128xf32, #tpu.memory_space<vmem>>, vector<1x128xf32>
    %add3A_23 = arith.addf %dot_general3A_19, %get3A_22 : vector<1x128xf32>
    %swap3A = arith.constant 0 : index
    %swap3A_24 = arith.constant 0 : index
    %swap3A_25 = vector.load %arg5[%swap3A, %swap3A_24] : memref<1x128xf32, #tpu.memory_space<vmem>>, vector<1x128xf32>
    tpu.vector_store %arg5[%swap3A, %swap3A_24], %add3A_23 {strides = array<i32>} : memref<1x128xf32, #tpu.memory_space<vmem>>, vector<1x128xf32>,
    return
  }
}

</mosaic_0001>

<sc_bundles>
// kernel: kernel.12.cloned.1.call-start
scs
__scs_entry_jumppad:
0x0: {  	(pc) =	sbr.rel $0x88, $3  }
0x1: {  	(tag) =	ssettag $0x0;
	lr =	simm.s32 $0x1  }
0x2: {  	[smem:$0x3F99] =	sst lr;
	_ =	strace $0xD0000000  }
0x3: {  	_ = 	snop  }
0x4: {  	_ = 	snop  }
0x5: {  	_ = 	snop  }
0x6: {  	_ = 	snop  }
0x7: {  	_ = 	snop  }
__scs_overlays_trampoline_lowered:
0x8: {  	[smem:$0x3FA8] =	sst s0  }
0x9: {  	[smem:$0x3FA9] =	sst s1  }
0xa: {  	[smem:$0x3FAA] =	sst s2  }
0xb: {  	[smem:$0x3FAB] =	sst s3  }
0xc: {  	[smem:$0x3FAC] =	sst s4  }
0xd: {  	[smem:$0x3FAD] =	sst s5  }
0xe: {  	[smem:$0x3FAE] =	sst s6  }
0xf: {  	[smem:$0x3FAF] =	sst s7  }
0x10: {  	[smem:$0x3FB0] =	sst s8  }
0x11: {  	[smem:$0x3FB1] =	sst s9;
	s0 =	simm.s32 @!p0 $0x0  }
0x12: {  	s1 =	sld [smem:$0x3F97];
	s0 =	simm.s32 @p0 $0x1  }
0x13: {  	[smem:$0x3FB2] =	sst s0;
	s0 =	simm.s32 @!p1 $0x0  }
0x14: {  	s2 =	sld [smem:$0x3F96];
	s0 =	simm.s32 @p1 $0x1  }
0x15: {  	[smem:$0x3FB3] =	sst s0;
	s0 =	simm.s32 @!p2 $0x0  }
0x16: {  	s3 =	sld [smem:$0x3FDB];
	s0 =	simm.s32 @p2 $0x1  }
0x17: {  	s4 =	simm.s32 $0x1BF5;
	[smem:$0x3FB5] =	sst s0  }
0x18: {  	s0 =	sld [smem:$0x3F98];
	_ =	swait.ge [sflag:s4], $0x0  }
0x19: {  	s7 =	sld [smem:$0x3F99]  }
0x1a: {  	s8 =	sadd.s32 $0xFFFFE003, lr  }
0x1b: {  	s9 =	sadd.s32 $0xFFFFFEF7, lr;
	s5 =	simm.s32 $0xFFFFFFFF;
	p2 =	slt.u32 s8, $0xFFFFF086  }
0x1c: {  	p1 =	slt.u32 s9, $0xF7A;
	s5 =	simm.s32 @!p2 $0x0  }
0x1d: {  	s5 =	simm.s32 @p1 $0x1;
	p0 =	seq.s32 s7, s2  }
0x1e: {  	s7 =	smul.u32 @!p0 $0xF7A, s2;
	p2 =	seq.s32 @!p0 s5, $0x0  }
0x1f: {  	s9 =	smul.u32 $0xF7A, s1;
	s8 =	simm.s32 @!p0 $0x1BF5;
	p2 =	por !p2, p0  }
0x20: {  	[sflag:s8] =	ssyncset.s32 @!p0 $0xFFFFF086;
	s6 =	sadd.s32 @!p0 s3, s7;
	s7 =	simm.s32 @!p0 $0x108  }
0x21: {  	s3 =	sadd.s32 s3, s9;
	s6 =	sadd.s32 @!p0 $0x88, s6;
	s7 =	simm.s32 @p2 $0x1082  }
0x22: {  	[simem:s7], [sflag:s8] =	dma.local @!p0 [hbm:s6], $0xF7A  }
0x23: {  	s9 =	sor.u32 $0xD0000000, s2;
	s6 =	simm.s32 $0x108;
	_ =	swait.ge @!p0 [sflag:s8], $0x0  }
0x24: {  	s3 =	sadd.s32 $0x88, s3;
	s6 =	simm.s32 @!p1 $0x1082;
	[sflag:s4] =	ssyncset.s32 $0xFFFFF086  }
0x25: {  	[simem:s6], [sflag:s4] =	dma.local [hbm:s3], $0xF7A  }
0x26: {  	[smem:$0x3F99] =	sst s1;
	(tag) =	ssettag s2;
	_ =	strace s9  }
0x27: {  	s1 =	sld [smem:$0x3FA9]  }
0x28: {  	s2 =	sld [smem:$0x3FAA]  }
0x29: {  	s4 =	sld [smem:$0x3FAC]  }
0x2a: {  	p0 =	seq.s32 s5, $0x0;
	s5 =	sld [smem:$0x3FAD]  }
0x2b: {  	s6 =	sld [smem:$0x3FAE]  }
0x2c: {  	s7 =	sld [smem:$0x3FAF]  }
0x2d: {  	s3 =	simm.s32 $0x108;
	s8 =	sld [smem:$0x3FB0]  }
0x2e: {  	s3 =	simm.s32 @!p0 $0x1082;
	s9 =	sld [smem:$0x3FB1]  }
0x2f: {  	lr =	sadd.s32 s0, s3;
	s0 =	sld [smem:$0x3FA8]  }
0x30: {  	s3 =	sld [smem:$0x3FAB]  }
0x31: {  	[smem:$0x3FB4] =	sst s10  }
0x32: {  	s10 =	sld [smem:$0x3FB2];
	_ =	sdelay $0x3  }
0x33: {  	p0 =	seq.s32 s10, $0x1;
	s10 =	sld [smem:$0x3FB4];
	_ =	sdelay $0x3  }
0x34: {  	[smem:$0x3FB4] =	sst s10  }
0x35: {  	s10 =	sld [smem:$0x3FB3];
	_ =	sdelay $0x3  }
0x36: {  	p1 =	seq.s32 s10, $0x1;
	s10 =	sld [smem:$0x3FB4];
	_ =	sdelay $0x3  }
0x37: {  	[smem:$0x3FB4] =	sst s10  }
0x38: {  	s10 =	sld [smem:$0x3FB5]  }
0x39: {  	_ = 	snop;
	(pc) =	sbr.ind lr, $3  }
0x3a: {  	_ = 	snop  }
0x3b: {  	_ = 	snop  }
0x3c: {  	p2 =	seq.s32 s10, $0x1;
	s10 =	sld [smem:$0x3FB4]  }
0x3d: {  	_ =	shalt  }
0x3e: {  	_ =	shalt  }
0x3f: {  	_ =	shalt  }
0x40: {  	_ =	shalt  }
0x41: {  	_ =	shalt  }
0x42: {  	_ =	shalt  }
0x43: {  	_ =	shalt  }
0x44: {  	_ =	shalt  }
0x45: {  	_ =	shalt  }
0x46: {  	_ =	shalt  }
0x47: {  	_ =	shalt  }
0x48: {  	_ =	shalt  }
0x49: {  	_ =	shalt  }
0x4a: {  	_ =	shalt  }
0x4b: {  	_ =	shalt  }
0x4c: {  	_ =	shalt  }
0x4d: {  	_ =	shalt  }
0x4e: {  	_ =	shalt  }
0x4f: {  	_ =	shalt  }
0x50: {  	_ =	shalt  }
0x51: {  	_ =	shalt  }
0x52: {  	_ =	shalt  }
0x53: {  	_ =	shalt  }
0x54: {  	_ =	shalt  }
0x55: {  	_ =	shalt  }
0x56: {  	_ =	shalt  }
0x57: {  	_ =	shalt  }
0x58: {  	_ =	shalt  }
0x59: {  	_ =	shalt  }
0x5a: {  	_ =	shalt  }
0x5b: {  	_ =	shalt  }
0x5c: {  	_ =	shalt  }
0x5d: {  	_ =	shalt  }
0x5e: {  	_ =	shalt  }
0x5f: {  	_ =	shalt  }
0x60: {  	_ =	shalt  }
0x61: {  	_ =	shalt  }
0x62: {  	_ =	shalt  }
0x63: {  	_ =	shalt  }
0x64: {  	_ =	shalt  }
0x65: {  	_ =	shalt  }
0x66: {  	_ =	shalt  }
0x67: {  	_ =	shalt  }
0x68: {  	_ =	shalt  }
0x69: {  	_ =	shalt  }
0x6a: {  	_ =	shalt  }
0x6b: {  	_ =	shalt  }
0x6c: {  	_ =	shalt  }
0x6d: {  	_ =	shalt  }
0x6e: {  	_ =	shalt  }
0x6f: {  	_ =	shalt  }
0x70: {  	_ =	shalt  }
0x71: {  	_ =	shalt  }
0x72: {  	_ =	shalt  }
0x73: {  	_ =	shalt  }
0x74: {  	_ =	shalt  }
0x75: {  	_ =	shalt  }
0x76: {  	_ =	shalt  }
0x77: {  	_ =	shalt  }
0x78: {  	_ =	shalt  }
0x79: {  	_ =	shalt  }
0x7a: {  	_ =	shalt  }
0x7b: {  	_ =	shalt  }
0x7c: {  	_ =	shalt  }
0x7d: {  	_ =	shalt  }
0x7e: {  	_ =	shalt  }
0x7f: {  	_ =	shalt  }
0x80: {  	_ =	shalt  }
0x81: {  	_ =	shalt  }
0x82: {  	_ =	shalt  }
0x83: {  	_ =	shalt  }
0x84: {  	_ =	shalt  }
0x85: {  	_ =	shalt  }
0x86: {  	_ =	shalt  }
0x87: {  	_ =	shalt  }
.Lfunc_end0:
.L_simem_size_0:
called_computation.1_lowered:
.L_overlay_start_0:
0x88: {  	s2 =	sld [smem:$0x3FD9]  }
0x89: {  	s3 =	sld [smem:$0x3FFE];
	_ =	sdelay $0x1  }
0x8a: {  	s1 =	srdreg.scid  }
0x8b: {  	s0 =	sand.u32 $0x1, s1  }
0x8c: {  	s16 =	sshll.u32 s0, $0xA;
	s2 =	sadd.s32 s3, s2  }
0x8d: {  	s2 =	sadd.s32 s2, s16  }
0x8e: {  	[smem:$0x3FC0] =	sst s2  }
0x8f: {  	_ = 	snop  }
0x90: {  	(tm) =	ssettm $0x1  }
0x91: {  	s17 =	sld [smem:$0x3FFB];
	_ =	sdelay $0x3  }
0x92: {  	_ =	strace s17  }
0x93: {  	s2 =	sld [smem:$0x3FFC];
	_ =	sdelay $0x3  }
0x94: {  	_ =	strace s2  }
0x95: {  	s2 =	sld [smem:$0x3FFD];
	_ =	sdelay $0x3  }
0x96: {  	_ =	strace s2  }
0x97: {  	_ =	strace $0x8FFFFFFF  }
0x98: {  	s18 =	sld [smem:$0x3FDB];
	_ =	sdelay $0x1  }
0x99: {  	s19 =	simm.s32 $_scs_section_size  }
0x9a: {  	s4 =	simm.s32 $_size__tile_overlayer_lowered;
	s5 =	simm.s32 $_tile_overlayer_lowered  }
0x9b: {  	s22 =	simm.s32 $0x1BFF;
	s21 =	sshll.u32 s5, $0x1;
	s2 =	sadd.s32 s19, s18  }
0x9c: {  	s6 =	simm.s32 $0x0;
	s20 =	sshll.u32 s4, $0x1;
	s4 =	sadd.s32 s21, s2  }
0x9d: {  	[timem:s6], [sflag:s22] =	dma.local [hbm:s4], s20  }
0x9e: {  	_ =	swait.ge [sflag:s22], s20  }
0x9f: {  	s3 =	ssub.s32 $0x0, s20;
	[sflag:s22] =	ssyncset.done $0x0  }
0xa0: {  	[sflag:s22] =	ssyncadd.s32 s3;
	_ =	sdelay $0x1  }
0xa1: {  	s23 =	simm.s32 $0x1B8B  }
0xa2: {  	_ =	swait.ge [sflag:s23], $0x1  }
0xa3: {  	[sflag:s23] =	ssyncset.done $0x0  }
0xa4: {  	s25 =	simm.s32 $0x1B8E;
	s24 =	sld [smem:$0x3FFE];
	[sflag:s23] =	ssyncadd.s32 $0xFFFFFFFF  }
0xa5: {  	s26 =	simm.s32 $execute0_lowered;
	[smem:$0x3FD2] =	sst s25  }
0xa6: {  	s4 =	sshll.u32 s26, $0x1;
	_ =	strace $0x80000049;
	[dreg:$0x1] =	wrdreg $0xFFFFFFFF  }
0xa7: {  	s28 =	simm.s32 $_size_execute0_lowered;
	s2 =	sadd.s32 s2, s4;
	[dreg:$0x0] =	wrdreg $0x0  }
0xa8: {  	s4 =	sshll.u32 s28, $0x1;
	[dreg:$0x2] =	wrdreg s2  }
0xa9: {  	[dreg:$0x3] =	wrdreg s4  }
0xaa: {  	[dreg:$0x4] =	wrdreg $0xC0  }
0xab: {  	_ =	task [dreg:s6], $0x5FFFF  }
0xac: {  	[dreg:$0x1] =	wrdreg $0xFFFFFFFF  }
0xad: {  	[dreg:$0x0] =	wrdreg $0x60  }
0xae: {  	[dreg:$0x2] =	wrdreg s24  }
0xaf: {  	[dreg:$0x3] =	wrdreg $0x50000  }
0xb0: {  	[dreg:$0x4] =	wrdreg $0x0  }
0xb1: {  	[dreg:$0x5] =	wrdreg $0x9  }
0xb2: {  	_ =	task.clear_ibuf [dreg:s6], $0x6FFFF;
	_ =	strace $0x90000049  }
0xb3: {  	s29 =	simm.s32 $0x9;
	_ =	strace $0x8000004B  }
0xb4: {  	_ =	swait.ge [sflag:s29], $0x1  }
0xb5: {  	[sflag:s29] =	ssyncadd.s32 $0xFFFFFFFF  }
0xb6: {  	_ =	strace $0x9000004B  }
0xb7: {  	_ =	sfence  }
0xb8: {  	s30 =	sld [smem:$0x0];
	_ =	sdelay $0x2  }
0xb9: {  	s31 =	sshll.u32 s1, $0xD;
	s1 =	sshrl.u32 s1, $0x2  }
0xba: {  	s3 =	sand.u32 $0x4000, s31;
	s1 =	sadd.s32 s1, s30  }
0xbb: {  	s0 =	sor.u32 s3, s0;
	s1 =	sshll.u32 s1, $0x11  }
0xbc: {  	s0 =	sor.u32 s1, s0  }
0xbd: {  	s0 =	sadd.s32 $0x8F2B, s0  }
0xbe: {  	[sflag:s0] =	ssyncadd.remote.s32 $0x1  }
0xbf: {  	_ =	sfence.sel $0xFFFF  }
0xc0: {  	[dreg:$0x0] =	wrdreg $0xFFFFFFFF;
	(pc) =	sbr.abs _section_cstart, $3  }
0xc1: {  	[dreg:$0x1] =	wrdreg $0xFFFFFFFF  }
0xc2: {  	_ =	task.clear_ibuf [dreg:s6], $0x2FFFF;
	_ =	strace $0x9FFFFFFF  }
0xc3: {  	(tm) =	ssettm $0x7FFFFFFF  }
tec
execute0_lowered:
.L_overlay_start_1:
0x0: {  	(tag) =	ssettag $0x1  }
0x1: {  	s0 =	rddreg [dreg:$0x0]  }
0x2: {  	s1 =	rddreg [dreg:$0x1]  }
0x3: {  	s3 =	rddreg [dreg:$0x2]  }
0x4: {  	s17 =	simm.s32 $0x0;
	s2 =	srdreg.scid;
	s4 =	stileid.u32  }
0x5: {  	s13 =	simm.s32 $0x1;
	s14 =	simm.s32 $0x4;
	s15 =	simm.s32 $0x8  }
0x6: {  	s16 =	simm.s32 $0x9;
	s18 =	simm.s32 $0xA000;
	s19 =	simm.s32 $0xB400  }
0x7: {  	s20 =	simm.s32 $0x80;
	s21 =	simm.s32 $0xC800;
	s28 =	simm.s32 $0xF800  }
0x8: {  	s29 =	simm.s32 $0x2;
	s30 =	simm.s32 $0xB480;
	s31 =	simm.s32 $0x5  }
0x9: {  	s12 =	simm.s32 $0xC780;
	[smem:$0x7FF] =	sst s17;
	s5 =	smul.u32 $0x13880, s4  }
0xa: {  	s2 =	sand.u32 $0x1, s2;
	s7 =	smul.u32 $0x9C40, s4;
	s23 =	sshll.u32 s4, $0x6  }
0xb: {  	s9 =	sadd.s32 $0xC800, s0;
	_ =	strace $0x8000004A;
	s6 =	sshll.u32 s2, $0x6  }
0xc: {  	s2 =	ssub.s32 $0x2, s2;
	s11 =	sor.u32 $0x1C09, s23;
	s23 =	simm.s32 $0xD800  }
0xd: {  	s6 =	sor.u32 s6, s5;
	s5 =	sadd.s32 $0x2800, s0;
	s8 =	sshrl.u32 s2, $0x1  }
0xe: {  	s7 =	sshrl.u32 s7, $0x1;
	s6 =	sshrl.u32 s6, $0x4;
	s2 =	ssub.s32 s2, s8  }
0xf: {  	s10 =	sadd.s32 s7, s1;
	s7 =	sadd.s32 s7, s3;
	s8 =	smul.u32 $0xA0, s4  }
0x10: {  	s6 =	sadd.s32 s6, s0;
	s25 =	smax.u32 s2, $0x1;
	s26 =	sshrl.u32 s10, $0x3  }
0x11: {  	s7 =	sshrl.u32 s7, $0x3;
	s0 =	simm.s32 $0x3;
	[dreg:$0x8] =	wrdreg s25  }
0x12: {  	s2 =	simm.s32 $0x6;
	s10 =	simm.s32 $0x7;
	[dreg:$0x9] =	wrdreg s26  }
0x13: {  	s22 =	sadd.s32 $0x16800, s6;
	s24 =	sadd.s32 $0x2A200, s6;
	[dreg:$0xa] =	wrdreg s7  }
0x14: {  	s6 =	smov.u32 s11;
	s25 =	simm.s32 $0xE800;
	[dreg:$0x5] =	wrdreg s22  }
0x15: {  	s26 =	simm.s32 $0xA180;
	s11 =	simm.s32 $0xC700;
	[dreg:$0x7] =	wrdreg s24  }
0x16: {  	s22 =	simm.s32 $0xA080;
	s24 =	simm.s32 $0xA100;
	[dreg:$0x6] =	wrdreg s6  }
.LBB2_1:
0x17: {  	[dreg:$0x4] =	wrdreg s17  }
0x18: {  	s4 =	rddreg [dreg:$0x5]  }
0x19: {  	s17 =	smov.u32 s7;
	s7 =	rddreg [dreg:$0x9]  }
0x1a: {  	[spmem:s7@s14], [sflag:s6] =	dma.strided [hbm:s4@s15], $0x9C4, s13, $0x4   }
0x1b: {  	_ =	swait.ge [sflag:s16], $0x9C4  }
0x1c: {  	[sflag:s16] =	ssyncset.done $0x0  }
0x1d: {  	[sflag:s16] =	ssyncadd.s32 $0xFFFFF63C  }
0x1e: {  	[spmem:s17@s14], [sflag:s6] =	dma.strided [hbm:s4@s15], $0x9C4, s13, $0x4   }
0x1f: {  	_ =	swait.ge [sflag:s16], $0x9C4  }
0x20: {  	[sflag:s16] =	ssyncset.done $0x0  }
0x21: {  	[sflag:s16] =	ssyncadd.s32 $0xFFFFF63C  }
0x22: {  	s6 =	simm.s32 $0x0;
	[bflag:$0x0] =	sbarrier.arrive $0xFFFF  }
.LBB2_2:
0x23: {  	s7 =	smul.u32 $0x28, s6;
	_ =	sdelay $0x1  }
0x24: {  	s7 =	sadd.s32 s8, s7  }
0x25: {  	s7 =	sshll.u32 s7, $0x4  }
0x26: {  	s4 =	simm.s32 $0x0;
	s17 =	sadd.s32 s5, s7  }
0x27: {  	[tilespmem:s18], [sflag:$0x9] =	stream.linear.gather [hbm4b:s17+s4], $0x1400, $0x38;
	[tilespmem:$0x10800] =	vst v63  }
0x28: {  	_ =	swait.ge [sflag:s16], $0x1400  }
0x29: {  	[sflag:s16] =	ssyncset.done $0x0  }
0x2a: {  	s7 =	sadd.s32 s7, s9;
	[sflag:s16] =	ssyncadd.s32 $0xFFFFEC00  }
0x2b: {  	[tilespmem:s19], [sflag:$0x9] =	stream.linear.gather [hbm4b:s7+s4], $0x1400, $0x38;
	[tilespmem:$0x10800] =	vst v63  }
0x2c: {  	_ =	swait.ge [sflag:s16], $0x1400  }
0x2d: {  	[sflag:s16] =	ssyncset.done $0x0  }
0x2e: {  	[sflag:s16] =	ssyncadd.s32 $0xFFFFEC00  }
0x2f: {  	[tilespmem:s21], [sflag:$0x1] =	stream.indirect.gather [spmem:s1], $0x20, s18, s20, $0xb8;
	[tilespmem:$0x10800] =	vst v63  }
0x30: {  	_ = 	snop  }
0x31: {  	[tilespmem:s23], [sflag:$0x2] =	stream.indirect.gather [spmem:s1], $0x20, s22, s20, $0xb8;
	[tilespmem:$0x10800] =	vst v63  }
0x32: {  	_ = 	snop  }
0x33: {  	[tilespmem:s25], [sflag:$0x3] =	stream.indirect.gather [spmem:s1], $0x20, s24, s20, $0xb8;
	[tilespmem:$0x10800] =	vst v63  }
0x34: {  	_ =	swait.ge [sflag:s13], $0x1000  }
0x35: {  	[sflag:s13] =	ssyncset.done $0x0  }
0x36: {  	[sflag:s13] =	ssyncadd.s32 $0xFFFFF000  }
0x37: {  	[spmem:s3] =	stream.indirect.scatter.add.bf16 [tilespmem:s21], [sflag:$0x5], $0x20, s19, s20, $0xb8;
	[tilespmem:$0x10800] =	vst v63  }
0x38: {  	_ = 	snop  }
0x39: {  	[tilespmem:s28], [sflag:$0x4] =	stream.indirect.gather [spmem:s1], $0x20, s26, s20, $0xb8;
	[tilespmem:$0x10800] =	vst v63  }
0x3a: {  	_ =	swait.ge [sflag:s29], $0x1000  }
0x3b: {  	[sflag:s29] =	ssyncset.done $0x0  }
0x3c: {  	[sflag:s29] =	ssyncadd.s32 $0xFFFFF000  }
0x3d: {  	[spmem:s3] =	stream.indirect.scatter.add.bf16 [tilespmem:s23], [sflag:$0x6], $0x20, s30, s20, $0xb8;
	[tilespmem:$0x10800] =	vst v63  }
0x3e: {  	_ =	swait.ge [sflag:s31], $0x1000  }
0x3f: {  	[sflag:s31] =	ssyncset.done $0x0  }
0x40: {  	s17 =	simm.s32 $0xA200;
	[sflag:s31] =	ssyncadd.s32 $0xFFFFF000  }
0x41: {  	[tilespmem:s21], [sflag:$0x1] =	stream.indirect.gather [spmem:s1], $0x20, s17, s20, $0xb8;
	[tilespmem:$0x10800] =	vst v63  }
0x42: {  	_ =	swait.ge [sflag:s0], $0x1000  }
0x43: {  	[sflag:s0] =	ssyncset.done $0x0  }
0x44: {  	s7 =	simm.s32 $0xB500;
	[sflag:s0] =	ssyncadd.s32 $0xFFFFF000  }
0x45: {  	[spmem:s3] =	stream.indirect.scatter.add.bf16 [tilespmem:s25], [sflag:$0x7], $0x20, s7, s20, $0xb8;
	[tilespmem:$0x10800] =	vst v63  }
0x46: {  	_ =	swait.ge [sflag:s2], $0x1000  }
0x47: {  	[sflag:s2] =	ssyncset.done $0x0  }
0x48: {  	s17 =	simm.s32 $0xA280;
	[sflag:s2] =	ssyncadd.s32 $0xFFFFF000  }
0x49: {  	[tilespmem:s23], [sflag:$0x2] =	stream.indirect.gather [spmem:s1], $0x20, s17, s20, $0xb8;
	[tilespmem:$0x10800] =	vst v63  }
0x4a: {  	_ =	swait.ge [sflag:s14], $0x1000  }
0x4b: {  	[sflag:s14] =	ssyncset.done $0x0  }
0x4c: {  	s7 =	simm.s32 $0xB580;
	[sflag:s14] =	ssyncadd.s32 $0xFFFFF000  }
0x4d: {  	[spmem:s3] =	stream.indirect.scatter.add.bf16 [tilespmem:s28], [sflag:$0x8], $0x20, s7, s20, $0xb8;
	[tilespmem:$0x10800] =	vst v63  }
0x4e: {  	_ =	swait.ge [sflag:s10], $0x1000  }
0x4f: {  	[sflag:s10] =	ssyncset.done $0x0  }
0x50: {  	s17 =	simm.s32 $0xA300;
	[sflag:s10] =	ssyncadd.s32 $0xFFFFF000  }
0x51: {  	[tilespmem:s25], [sflag:$0x3] =	stream.indirect.gather [spmem:s1], $0x20, s17, s20, $0xb8;
	[tilespmem:$0x10800] =	vst v63  }
0x52: {  	_ =	swait.ge [sflag:s13], $0x1000  }
0x53: {  	[sflag:s13] =	ssyncset.done $0x0  }
0x54: {  	s7 =	simm.s32 $0xB600;
	[sflag:s13] =	ssyncadd.s32 $0xFFFFF000  }
0x55: {  	[spmem:s3] =	stream.indirect.scatter.add.bf16 [tilespmem:s21], [sflag:$0x5], $0x20, s7, s20, $0xb8;
	[tilespmem:$0x10800] =	vst v63  }
0x56: {  	_ =	swait.ge [sflag:s15], $0x1000  }
0x57: {  	[sflag:s15] =	ssyncset.done $0x0  }
0x58: {  	s17 =	simm.s32 $0xA380;
	[sflag:s15] =	ssyncadd.s32 $0xFFFFF000  }
0x59: {  	[tilespmem:s28], [sflag:$0x4] =	stream.indirect.gather [spmem:s1], $0x20, s17, s20, $0xb8;
	[tilespmem:$0x10800] =	vst v63  }
0x5a: {  	_ =	swait.ge [sflag:s29], $0x1000  }
0x5b: {  	[sflag:s29] =	ssyncset.done $0x0  }
0x5c: {  	s7 =	simm.s32 $0xB680;
	s17 =	simm.s32 $0x800;
	[sflag:s29] =	ssyncadd.s32 $0xFFFFF000  }
.LBB2_3:
0x5d: {  	[spmem:s3] =	stream.indirect.scatter.add.bf16 [tilespmem:s23], [sflag:$0x6], $0x20, s7, s20, $0xb8;
	[tilespmem:$0x10800] =	vst v63  }
0x5e: {  	s4 =	smov.u32 s17  }
0x5f: {  	p0 =	sne.s32 s17, $0x4000;
	s17 =	sadd.s32 $0x800, s17;
	_ =	swait.ge [sflag:s31], $0x1000  }
0x60: {  	s7 =	sshra.s32 s4, $0x2;
	[sflag:s31] =	ssyncset.done $0x0  }
0x61: {  	s4 =	sadd.s32 $0xA200, s7;
	[sflag:s31] =	ssyncadd.s32 $0xFFFFF000  }
0x62: {  	[tilespmem:s21], [sflag:$0x1] =	stream.indirect.gather [spmem:s1], $0x20, s4, s20, $0xb8;
	[tilespmem:$0x10800] =	vst v63  }
0x63: {  	_ =	swait.ge [sflag:s0], $0x1000  }
0x64: {  	[sflag:s0] =	ssyncset.done $0x0  }
0x65: {  	s4 =	sadd.s32 $0xB500, s7;
	[sflag:s0] =	ssyncadd.s32 $0xFFFFF000  }
0x66: {  	[spmem:s3] =	stream.indirect.scatter.add.bf16 [tilespmem:s25], [sflag:$0x7], $0x20, s4, s20, $0xb8;
	[tilespmem:$0x10800] =	vst v63  }
0x67: {  	_ =	swait.ge [sflag:s2], $0x1000  }
0x68: {  	[sflag:s2] =	ssyncset.done $0x0  }
0x69: {  	s4 =	sadd.s32 $0xA280, s7;
	[sflag:s2] =	ssyncadd.s32 $0xFFFFF000  }
0x6a: {  	[tilespmem:s23], [sflag:$0x2] =	stream.indirect.gather [spmem:s1], $0x20, s4, s20, $0xb8;
	[tilespmem:$0x10800] =	vst v63  }
0x6b: {  	_ =	swait.ge [sflag:s14], $0x1000  }
0x6c: {  	[sflag:s14] =	ssyncset.done $0x0  }
0x6d: {  	s4 =	sadd.s32 $0xB580, s7;
	[sflag:s14] =	ssyncadd.s32 $0xFFFFF000  }
0x6e: {  	[spmem:s3] =	stream.indirect.scatter.add.bf16 [tilespmem:s28], [sflag:$0x8], $0x20, s4, s20, $0xb8;
	[tilespmem:$0x10800] =	vst v63  }
0x6f: {  	_ =	swait.ge [sflag:s10], $0x1000  }
0x70: {  	[sflag:s10] =	ssyncset.done $0x0  }
0x71: {  	s4 =	sadd.s32 $0xA300, s7;
	[sflag:s10] =	ssyncadd.s32 $0xFFFFF000  }
0x72: {  	[tilespmem:s25], [sflag:$0x3] =	stream.indirect.gather [spmem:s1], $0x20, s4, s20, $0xb8;
	[tilespmem:$0x10800] =	vst v63  }
0x73: {  	_ =	swait.ge [sflag:s13], $0x1000  }
0x74: {  	[sflag:s13] =	ssyncset.done $0x0  }
0x75: {  	s4 =	sadd.s32 $0xB600, s7;
	[sflag:s13] =	ssyncadd.s32 $0xFFFFF000  }
0x76: {  	[spmem:s3] =	stream.indirect.scatter.add.bf16 [tilespmem:s21], [sflag:$0x5], $0x20, s4, s20, $0xb8;
	[tilespmem:$0x10800] =	vst v63  }
0x77: {  	_ =	swait.ge [sflag:s15], $0x1000  }
0x78: {  	[sflag:s15] =	ssyncset.done $0x0  }
.Ltmp0:
0x79: {  	s4 =	sadd.s32 $0xA380, s7;
	[sflag:s15] =	ssyncadd.s32 $0xFFFFF000;
	(pc) =	sbr.rel @p0 .LBB2_3-.Ltmp0, $4  }
0x7a: {  	[tilespmem:s28], [sflag:$0x4] =	stream.indirect.gather [spmem:s1], $0x20, s4, s20, $0xb8;
	[tilespmem:$0x10800] =	vst v63  }
0x7b: {  	_ =	swait.ge [sflag:s29], $0x1000  }
0x7c: {  	[sflag:s29] =	ssyncset.done $0x0  }
0x7d: {  	s7 =	sadd.s32 $0xB680, s7;
	[sflag:s29] =	ssyncadd.s32 $0xFFFFF000  }
0x7e: {  	[spmem:s3] =	stream.indirect.scatter.add.bf16 [tilespmem:s23], [sflag:$0x6], $0x20, s7, s20, $0xb8;
	[tilespmem:$0x10800] =	vst v63  }
0x7f: {  	_ =	swait.ge [sflag:s31], $0x1000  }
0x80: {  	[sflag:s31] =	ssyncset.done $0x0  }
0x81: {  	[sflag:s31] =	ssyncadd.s32 $0xFFFFF000  }
0x82: {  	_ =	swait.ge [sflag:s0], $0x1000  }
0x83: {  	[sflag:s0] =	ssyncset.done $0x0  }
0x84: {  	[sflag:s0] =	ssyncadd.s32 $0xFFFFF000  }
0x85: {  	[spmem:s3] =	stream.indirect.scatter.add.bf16 [tilespmem:s25], [sflag:$0x7], $0x20, s11, s20, $0xb8;
	[tilespmem:$0x10800] =	vst v63  }
0x86: {  	_ =	swait.ge [sflag:s2], $0x1000  }
0x87: {  	[sflag:s2] =	ssyncset.done $0x0  }
0x88: {  	[sflag:s2] =	ssyncadd.s32 $0xFFFFF000  }
0x89: {  	_ =	swait.ge [sflag:s14], $0x1000  }
0x8a: {  	[sflag:s14] =	ssyncset.done $0x0  }
0x8b: {  	s6 =	sadd.s32 $0x1, s6;
	[sflag:s14] =	ssyncadd.s32 $0xFFFFF000  }
0x8c: {  	[spmem:s3] =	stream.indirect.scatter.add.bf16 [tilespmem:s28], [sflag:$0x8], $0x20, s12, s20, $0xb8;
	[tilespmem:$0x10800] =	vst v63  }
0x8d: {  	p0 =	sne.s32 s6, $0x4;
	_ =	swait.ge [sflag:s10], $0x1000  }
.Ltmp1:
0x8e: {  	[sflag:s10] =	ssyncset.done $0x0;
	(pc) =	sbr.rel @p0 .LBB2_2-.Ltmp1, $4  }
0x8f: {  	[sflag:s10] =	ssyncadd.s32 $0xFFFFF000  }
0x90: {  	_ =	swait.ge [sflag:s15], $0x1000  }
0x91: {  	[sflag:s15] =	ssyncset.done $0x0  }
0x92: {  	[sflag:s15] =	ssyncadd.s32 $0xFFFFF000  }
0x93: {  	[bflag:$0x0] =	sbarrier.arrive $0xFFFF  }
0x94: {  	s6 =	rddreg [dreg:$0x6]  }
0x95: {  	s4 =	rddreg [dreg:$0x7]  }
0x96: {  	s7 =	rddreg [dreg:$0xa]  }
0x97: {  	[hbm:s4@s15], [sflag:s6] =	dma.strided [spmem:s7@s14], $0x9C4, s13, $0x4   }
0x98: {  	_ =	swait.ge [sflag:s16], $0x9C4  }
0x99: {  	s17 =	rddreg [dreg:$0x4]  }
0x9a: {  	s4 =	rddreg [dreg:$0x8];
	s17 =	sadd.s32 $0x1, s17  }
0x9b: {  	p0 =	sne.s32 s17, s4  }
.Ltmp2:
0x9c: {  	_ = 	snop;
	(pc) =	sbr.rel @p0 .LBB2_1-.Ltmp2, $3  }
0x9d: {  	_ =	sdelay $0x1  }
0x9e: {  	[sflag:s16] =	ssyncset.done $0x0  }
0x9f: {  	[sflag:s16] =	ssyncadd.s32 $0xFFFFF63C  }
0xa0: {  	_ =	sfence.sel $0x180000  }
0xa1: {  	[bflag:$0x0] =	sbarrier.arrive $0xFFFF  }
0xa2: {  	_ =	strace $0x9000004A  }
0xa3: {  	s0 =	stileid.u32;
	[bflag:$0x2] =	sbarrier.arrive $0xFFFF  }
0xa4: {  	p0 =	sne.s32 s0, $0x0;
	s0 =	rddreg [dreg:$0x3]  }
0xa5: {  	s0 =	sadd.s32 @!p0 $0x100000, s0  }
0xa6: {  	[sflag:s0] =	ssyncadd.tile.s32 @!p0 $0x1;
	_ =	shalt  }
.Lfunc_end2:
_tile_overlayer_lowered:
.L_overlay_start_2:
0xa7: {  	(tag) =	ssettag $0x2  }
0xa8: {  	s0 =	rddreg [dreg:$0x0];
	s2 =	stileid.u32  }
0xa9: {  	s1 =	rddreg [dreg:$0x1];
	p0 =	sne.s32 s2, $0x0  }
0xaa: {  	s3 =	rddreg [dreg:$0x2];
	[bflag:$0x3] =	sbarrier.arrive $0xFFFF;
	s2 =	simm.s32 @!p0 $0x1C09  }
0xab: {  	[timem:s3], [sflag:s2] =	dma.local @!p0 [hbm:s0], s1  }
0xac: {  	s0 =	simm.s32 @!p0 $0x9  }
0xad: {  	_ =	swait.ge @!p0 [sflag:s0], s1  }
0xae: {  	s1 =	ssub.s32 @!p0 $0x0, s1;
	[sflag:s0] =	ssyncset.done @!p0 $0x0  }
0xaf: {  	[sflag:s0] =	ssyncadd.s32 @!p0 s1  }
0xb0: {  	[bflag:$0x3] =	sbarrier.arrive $0xFFFF  }
0xb1: {  	_ =	shalt  }

// kernel: kernel.15.cloned.1.call-start
scs
__scs_entry_jumppad:
0x0: {  	(pc) =	sbr.rel $0x88, $3  }
0x1: {  	(tag) =	ssettag $0x0;
	lr =	simm.s32 $0x1  }
0x2: {  	[smem:$0x3F99] =	sst lr;
	_ =	strace $0xD0000000  }
0x3: {  	_ = 	snop  }
0x4: {  	_ = 	snop  }
0x5: {  	_ = 	snop  }
0x6: {  	_ = 	snop  }
0x7: {  	_ = 	snop  }
__scs_overlays_trampoline_lowered:
0x8: {  	[smem:$0x3FA8] =	sst s0  }
0x9: {  	[smem:$0x3FA9] =	sst s1  }
0xa: {  	[smem:$0x3FAA] =	sst s2  }
0xb: {  	[smem:$0x3FAB] =	sst s3  }
0xc: {  	[smem:$0x3FAC] =	sst s4  }
0xd: {  	[smem:$0x3FAD] =	sst s5  }
0xe: {  	[smem:$0x3FAE] =	sst s6  }
0xf: {  	[smem:$0x3FAF] =	sst s7  }
0x10: {  	[smem:$0x3FB0] =	sst s8  }
0x11: {  	[smem:$0x3FB1] =	sst s9;
	s0 =	simm.s32 @!p0 $0x0  }
0x12: {  	s1 =	sld [smem:$0x3F97];
	s0 =	simm.s32 @p0 $0x1  }
0x13: {  	[smem:$0x3FB2] =	sst s0;
	s0 =	simm.s32 @!p1 $0x0  }
0x14: {  	s2 =	sld [smem:$0x3F96];
	s0 =	simm.s32 @p1 $0x1  }
0x15: {  	[smem:$0x3FB3] =	sst s0;
	s0 =	simm.s32 @!p2 $0x0  }
0x16: {  	s3 =	sld [smem:$0x3FDB];
	s0 =	simm.s32 @p2 $0x1  }
0x17: {  	s4 =	simm.s32 $0x1BF5;
	[smem:$0x3FB5] =	sst s0  }
0x18: {  	s0 =	sld [smem:$0x3F98];
	_ =	swait.ge [sflag:s4], $0x0  }
0x19: {  	s7 =	sld [smem:$0x3F99]  }
0x1a: {  	s8 =	sadd.s32 $0xFFFFE003, lr  }
0x1b: {  	s9 =	sadd.s32 $0xFFFFFEF7, lr;
	s5 =	simm.s32 $0xFFFFFFFF;
	p2 =	slt.u32 s8, $0xFFFFF086  }
0x1c: {  	p1 =	slt.u32 s9, $0xF7A;
	s5 =	simm.s32 @!p2 $0x0  }
0x1d: {  	s5 =	simm.s32 @p1 $0x1;
	p0 =	seq.s32 s7, s2  }
0x1e: {  	s7 =	smul.u32 @!p0 $0xF7A, s2;
	p2 =	seq.s32 @!p0 s5, $0x0  }
0x1f: {  	s9 =	smul.u32 $0xF7A, s1;
	s8 =	simm.s32 @!p0 $0x1BF5;
	p2 =	por !p2, p0  }
0x20: {  	[sflag:s8] =	ssyncset.s32 @!p0 $0xFFFFF086;
	s6 =	sadd.s32 @!p0 s3, s7;
	s7 =	simm.s32 @!p0 $0x108  }
0x21: {  	s3 =	sadd.s32 s3, s9;
	s6 =	sadd.s32 @!p0 $0x88, s6;
	s7 =	simm.s32 @p2 $0x1082  }
0x22: {  	[simem:s7], [sflag:s8] =	dma.local @!p0 [hbm:s6], $0xF7A  }
0x23: {  	s9 =	sor.u32 $0xD0000000, s2;
	s6 =	simm.s32 $0x108;
	_ =	swait.ge @!p0 [sflag:s8], $0x0  }
0x24: {  	s3 =	sadd.s32 $0x88, s3;
	s6 =	simm.s32 @!p1 $0x1082;
	[sflag:s4] =	ssyncset.s32 $0xFFFFF086  }
0x25: {  	[simem:s6], [sflag:s4] =	dma.local [hbm:s3], $0xF7A  }
0x26: {  	[smem:$0x3F99] =	sst s1;
	(tag) =	ssettag s2;
	_ =	strace s9  }
0x27: {  	s1 =	sld [smem:$0x3FA9]  }
0x28: {  	s2 =	sld [smem:$0x3FAA]  }
0x29: {  	s4 =	sld [smem:$0x3FAC]  }
0x2a: {  	p0 =	seq.s32 s5, $0x0;
	s5 =	sld [smem:$0x3FAD]  }
0x2b: {  	s6 =	sld [smem:$0x3FAE]  }
0x2c: {  	s7 =	sld [smem:$0x3FAF]  }
0x2d: {  	s3 =	simm.s32 $0x108;
	s8 =	sld [smem:$0x3FB0]  }
0x2e: {  	s3 =	simm.s32 @!p0 $0x1082;
	s9 =	sld [smem:$0x3FB1]  }
0x2f: {  	lr =	sadd.s32 s0, s3;
	s0 =	sld [smem:$0x3FA8]  }
0x30: {  	s3 =	sld [smem:$0x3FAB]  }
0x31: {  	[smem:$0x3FB4] =	sst s10  }
0x32: {  	s10 =	sld [smem:$0x3FB2];
	_ =	sdelay $0x3  }
0x33: {  	p0 =	seq.s32 s10, $0x1;
	s10 =	sld [smem:$0x3FB4];
	_ =	sdelay $0x3  }
0x34: {  	[smem:$0x3FB4] =	sst s10  }
0x35: {  	s10 =	sld [smem:$0x3FB3];
	_ =	sdelay $0x3  }
0x36: {  	p1 =	seq.s32 s10, $0x1;
	s10 =	sld [smem:$0x3FB4];
	_ =	sdelay $0x3  }
0x37: {  	[smem:$0x3FB4] =	sst s10  }
0x38: {  	s10 =	sld [smem:$0x3FB5]  }
0x39: {  	_ = 	snop;
	(pc) =	sbr.ind lr, $3  }
0x3a: {  	_ = 	snop  }
0x3b: {  	_ = 	snop  }
0x3c: {  	p2 =	seq.s32 s10, $0x1;
	s10 =	sld [smem:$0x3FB4]  }
0x3d: {  	_ =	shalt  }
0x3e: {  	_ =	shalt  }
0x3f: {  	_ =	shalt  }
0x40: {  	_ =	shalt  }
0x41: {  	_ =	shalt  }
0x42: {  	_ =	shalt  }
0x43: {  	_ =	shalt  }
0x44: {  	_ =	shalt  }
0x45: {  	_ =	shalt  }
0x46: {  	_ =	shalt  }
0x47: {  	_ =	shalt  }
0x48: {  	_ =	shalt  }
0x49: {  	_ =	shalt  }
0x4a: {  	_ =	shalt  }
0x4b: {  	_ =	shalt  }
0x4c: {  	_ =	shalt  }
0x4d: {  	_ =	shalt  }
0x4e: {  	_ =	shalt  }
0x4f: {  	_ =	shalt  }
0x50: {  	_ =	shalt  }
0x51: {  	_ =	shalt  }
0x52: {  	_ =	shalt  }
0x53: {  	_ =	shalt  }
0x54: {  	_ =	shalt  }
0x55: {  	_ =	shalt  }
0x56: {  	_ =	shalt  }
0x57: {  	_ =	shalt  }
0x58: {  	_ =	shalt  }
0x59: {  	_ =	shalt  }
0x5a: {  	_ =	shalt  }
0x5b: {  	_ =	shalt  }
0x5c: {  	_ =	shalt  }
0x5d: {  	_ =	shalt  }
0x5e: {  	_ =	shalt  }
0x5f: {  	_ =	shalt  }
0x60: {  	_ =	shalt  }
0x61: {  	_ =	shalt  }
0x62: {  	_ =	shalt  }
0x63: {  	_ =	shalt  }
0x64: {  	_ =	shalt  }
0x65: {  	_ =	shalt  }
0x66: {  	_ =	shalt  }
0x67: {  	_ =	shalt  }
0x68: {  	_ =	shalt  }
0x69: {  	_ =	shalt  }
0x6a: {  	_ =	shalt  }
0x6b: {  	_ =	shalt  }
0x6c: {  	_ =	shalt  }
0x6d: {  	_ =	shalt  }
0x6e: {  	_ =	shalt  }
0x6f: {  	_ =	shalt  }
0x70: {  	_ =	shalt  }
0x71: {  	_ =	shalt  }
0x72: {  	_ =	shalt  }
0x73: {  	_ =	shalt  }
0x74: {  	_ =	shalt  }
0x75: {  	_ =	shalt  }
0x76: {  	_ =	shalt  }
0x77: {  	_ =	shalt  }
0x78: {  	_ =	shalt  }
0x79: {  	_ =	shalt  }
0x7a: {  	_ =	shalt  }
0x7b: {  	_ =	shalt  }
0x7c: {  	_ =	shalt  }
0x7d: {  	_ =	shalt  }
0x7e: {  	_ =	shalt  }
0x7f: {  	_ =	shalt  }
0x80: {  	_ =	shalt  }
0x81: {  	_ =	shalt  }
0x82: {  	_ =	shalt  }
0x83: {  	_ =	shalt  }
0x84: {  	_ =	shalt  }
0x85: {  	_ =	shalt  }
0x86: {  	_ =	shalt  }
0x87: {  	_ =	shalt  }
.Lfunc_end0:
.L_simem_size_0:
called_computation.2_lowered:
.L_overlay_start_0:
0x88: {  	s2 =	sld [smem:$0x3FD9]  }
0x89: {  	s3 =	sld [smem:$0x3FFE];
	_ =	sdelay $0x1  }
0x8a: {  	s1 =	srdreg.scid  }
0x8b: {  	s0 =	sand.u32 $0x1, s1  }
0x8c: {  	s16 =	sshll.u32 s0, $0xA;
	s2 =	sadd.s32 s3, s2  }
0x8d: {  	s2 =	sadd.s32 s2, s16  }
0x8e: {  	[smem:$0x3FC0] =	sst s2  }
0x8f: {  	_ = 	snop  }
0x90: {  	(tm) =	ssettm $0x1  }
0x91: {  	s17 =	sld [smem:$0x3FFB];
	_ =	sdelay $0x3  }
0x92: {  	_ =	strace s17  }
0x93: {  	s2 =	sld [smem:$0x3FFC];
	_ =	sdelay $0x3  }
0x94: {  	_ =	strace s2  }
0x95: {  	s2 =	sld [smem:$0x3FFD];
	_ =	sdelay $0x3  }
0x96: {  	_ =	strace s2  }
0x97: {  	_ =	strace $0x8FFFFFFF  }
0x98: {  	s18 =	sld [smem:$0x3FDB];
	_ =	sdelay $0x1  }
0x99: {  	s19 =	simm.s32 $_scs_section_size  }
0x9a: {  	s4 =	simm.s32 $_size__tile_overlayer_lowered;
	s5 =	simm.s32 $_tile_overlayer_lowered  }
0x9b: {  	s22 =	simm.s32 $0x1BFF;
	s21 =	sshll.u32 s5, $0x1;
	s2 =	sadd.s32 s19, s18  }
0x9c: {  	s6 =	simm.s32 $0x0;
	s20 =	sshll.u32 s4, $0x1;
	s4 =	sadd.s32 s21, s2  }
0x9d: {  	[timem:s6], [sflag:s22] =	dma.local [hbm:s4], s20  }
0x9e: {  	_ =	swait.ge [sflag:s22], s20  }
0x9f: {  	s3 =	ssub.s32 $0x0, s20;
	[sflag:s22] =	ssyncset.done $0x0  }
0xa0: {  	[sflag:s22] =	ssyncadd.s32 s3;
	_ =	sdelay $0x1  }
0xa1: {  	s23 =	simm.s32 $0x1B8B  }
0xa2: {  	_ =	swait.ge [sflag:s23], $0x1  }
0xa3: {  	[sflag:s23] =	ssyncset.done $0x0  }
0xa4: {  	s25 =	simm.s32 $0x1B8E;
	s24 =	sld [smem:$0x3FFE];
	[sflag:s23] =	ssyncadd.s32 $0xFFFFFFFF  }
0xa5: {  	s26 =	simm.s32 $execute0_lowered;
	[smem:$0x3FD2] =	sst s25  }
0xa6: {  	s4 =	sshll.u32 s26, $0x1;
	_ =	strace $0x8000004C;
	[dreg:$0x1] =	wrdreg $0xFFFFFFFF  }
0xa7: {  	s28 =	simm.s32 $_size_execute0_lowered;
	s2 =	sadd.s32 s2, s4;
	[dreg:$0x0] =	wrdreg $0x0  }
0xa8: {  	s4 =	sshll.u32 s28, $0x1;
	[dreg:$0x2] =	wrdreg s2  }
0xa9: {  	[dreg:$0x3] =	wrdreg s4  }
0xaa: {  	[dreg:$0x4] =	wrdreg $0xC0  }
0xab: {  	_ =	task [dreg:s6], $0x5FFFF  }
0xac: {  	[dreg:$0x1] =	wrdreg $0xFFFFFFFF  }
0xad: {  	[dreg:$0x0] =	wrdreg $0x60  }
0xae: {  	[dreg:$0x2] =	wrdreg s24  }
0xaf: {  	[dreg:$0x3] =	wrdreg $0x50000  }
0xb0: {  	[dreg:$0x4] =	wrdreg $0x0  }
0xb1: {  	[dreg:$0x5] =	wrdreg $0x9  }
0xb2: {  	_ =	task.clear_ibuf [dreg:s6], $0x6FFFF;
	_ =	strace $0x9000004C  }
0xb3: {  	s29 =	simm.s32 $0x9;
	_ =	strace $0x8000004E  }
0xb4: {  	_ =	swait.ge [sflag:s29], $0x1  }
0xb5: {  	[sflag:s29] =	ssyncadd.s32 $0xFFFFFFFF  }
0xb6: {  	_ =	strace $0x9000004E  }
0xb7: {  	_ =	sfence  }
0xb8: {  	s30 =	sld [smem:$0x0];
	_ =	sdelay $0x2  }
0xb9: {  	s31 =	sshll.u32 s1, $0xD;
	s1 =	sshrl.u32 s1, $0x2  }
0xba: {  	s3 =	sand.u32 $0x4000, s31;
	s1 =	sadd.s32 s1, s30  }
0xbb: {  	s0 =	sor.u32 s3, s0;
	s1 =	sshll.u32 s1, $0x11  }
0xbc: {  	s0 =	sor.u32 s1, s0  }
0xbd: {  	s0 =	sadd.s32 $0x8F2B, s0  }
0xbe: {  	[sflag:s0] =	ssyncadd.remote.s32 $0x1  }
0xbf: {  	_ =	sfence.sel $0xFFFF  }
0xc0: {  	[dreg:$0x0] =	wrdreg $0xFFFFFFFF;
	(pc) =	sbr.abs _section_cstart, $3  }
0xc1: {  	[dreg:$0x1] =	wrdreg $0xFFFFFFFF  }
0xc2: {  	_ =	task.clear_ibuf [dreg:s6], $0x2FFFF;
	_ =	strace $0x9FFFFFFF  }
0xc3: {  	(tm) =	ssettm $0x7FFFFFFF  }
tec
execute0_lowered:
.L_overlay_start_1:
0x0: {  	(tag) =	ssettag $0x1  }
0x1: {  	s0 =	rddreg [dreg:$0x0]  }
0x2: {  	s1 =	rddreg [dreg:$0x1]  }
0x3: {  	s3 =	rddreg [dreg:$0x2]  }
0x4: {  	s17 =	simm.s32 $0x0;
	s2 =	srdreg.scid;
	s4 =	stileid.u32  }
0x5: {  	s13 =	simm.s32 $0x1;
	s14 =	simm.s32 $0x4;
	s15 =	simm.s32 $0x8  }
0x6: {  	s16 =	simm.s32 $0x9;
	s18 =	simm.s32 $0xA000;
	s19 =	simm.s32 $0xB400  }
0x7: {  	s20 =	simm.s32 $0x80;
	s21 =	simm.s32 $0xC800;
	s28 =	simm.s32 $0xF800  }
0x8: {  	s29 =	simm.s32 $0x2;
	s30 =	simm.s32 $0xB480;
	s31 =	simm.s32 $0x5  }
0x9: {  	s12 =	simm.s32 $0xC780;
	[smem:$0x7FF] =	sst s17;
	s5 =	smul.u32 $0x13880, s4  }
0xa: {  	s2 =	sand.u32 $0x1, s2;
	s7 =	smul.u32 $0x9C40, s4;
	s23 =	sshll.u32 s4, $0x6  }
0xb: {  	s9 =	sadd.s32 $0xC800, s0;
	_ =	strace $0x8000004D;
	s6 =	sshll.u32 s2, $0x6  }
0xc: {  	s2 =	ssub.s32 $0x2, s2;
	s11 =	sor.u32 $0x1C09, s23;
	s23 =	simm.s32 $0xD800  }
0xd: {  	s6 =	sor.u32 s6, s5;
	s5 =	sadd.s32 $0x2800, s0;
	s8 =	sshrl.u32 s2, $0x1  }
0xe: {  	s7 =	sshrl.u32 s7, $0x1;
	s6 =	sshrl.u32 s6, $0x4;
	s2 =	ssub.s32 s2, s8  }
0xf: {  	s10 =	sadd.s32 s7, s1;
	s7 =	sadd.s32 s7, s3;
	s8 =	smul.u32 $0xA0, s4  }
0x10: {  	s6 =	sadd.s32 s6, s0;
	s25 =	smax.u32 s2, $0x1;
	s26 =	sshrl.u32 s10, $0x3  }
0x11: {  	s7 =	sshrl.u32 s7, $0x3;
	s0 =	simm.s32 $0x3;
	[dreg:$0x8] =	wrdreg s25  }
0x12: {  	s2 =	simm.s32 $0x6;
	s10 =	simm.s32 $0x7;
	[dreg:$0x9] =	wrdreg s26  }
0x13: {  	s22 =	sadd.s32 $0x16800, s6;
	s24 =	sadd.s32 $0x2A200, s6;
	[dreg:$0xa] =	wrdreg s7  }
0x14: {  	s6 =	smov.u32 s11;
	s25 =	simm.s32 $0xE800;
	[dreg:$0x5] =	wrdreg s22  }
0x15: {  	s26 =	simm.s32 $0xA180;
	s11 =	simm.s32 $0xC700;
	[dreg:$0x7] =	wrdreg s24  }
0x16: {  	s22 =	simm.s32 $0xA080;
	s24 =	simm.s32 $0xA100;
	[dreg:$0x6] =	wrdreg s6  }
.LBB2_1:
0x17: {  	[dreg:$0x4] =	wrdreg s17  }
0x18: {  	s4 =	rddreg [dreg:$0x5]  }
0x19: {  	s17 =	smov.u32 s7;
	s7 =	rddreg [dreg:$0x9]  }
0x1a: {  	[spmem:s7@s14], [sflag:s6] =	dma.strided [hbm:s4@s15], $0x9C4, s13, $0x4   }
0x1b: {  	_ =	swait.ge [sflag:s16], $0x9C4  }
0x1c: {  	[sflag:s16] =	ssyncset.done $0x0  }
0x1d: {  	[sflag:s16] =	ssyncadd.s32 $0xFFFFF63C  }
0x1e: {  	[spmem:s17@s14], [sflag:s6] =	dma.strided [hbm:s4@s15], $0x9C4, s13, $0x4   }
0x1f: {  	_ =	swait.ge [sflag:s16], $0x9C4  }
0x20: {  	[sflag:s16] =	ssyncset.done $0x0  }
0x21: {  	[sflag:s16] =	ssyncadd.s32 $0xFFFFF63C  }
0x22: {  	s6 =	simm.s32 $0x0;
	[bflag:$0x0] =	sbarrier.arrive $0xFFFF  }
.LBB2_2:
0x23: {  	s7 =	smul.u32 $0x28, s6;
	_ =	sdelay $0x1  }
0x24: {  	s7 =	sadd.s32 s8, s7  }
0x25: {  	s7 =	sshll.u32 s7, $0x4  }
0x26: {  	s4 =	simm.s32 $0x0;
	s17 =	sadd.s32 s5, s7  }
0x27: {  	[tilespmem:s18], [sflag:$0x9] =	stream.linear.gather [hbm4b:s17+s4], $0x1400, $0x38;
	[tilespmem:$0x10800] =	vst v63  }
0x28: {  	_ =	swait.ge [sflag:s16], $0x1400  }
0x29: {  	[sflag:s16] =	ssyncset.done $0x0  }
0x2a: {  	s7 =	sadd.s32 s7, s9;
	[sflag:s16] =	ssyncadd.s32 $0xFFFFEC00  }
0x2b: {  	[tilespmem:s19], [sflag:$0x9] =	stream.linear.gather [hbm4b:s7+s4], $0x1400, $0x38;
	[tilespmem:$0x10800] =	vst v63  }
0x2c: {  	_ =	swait.ge [sflag:s16], $0x1400  }
0x2d: {  	[sflag:s16] =	ssyncset.done $0x0  }
0x2e: {  	[sflag:s16] =	ssyncadd.s32 $0xFFFFEC00  }
0x2f: {  	[tilespmem:s21], [sflag:$0x1] =	stream.indirect.gather [spmem:s1], $0x20, s18, s20, $0xb8;
	[tilespmem:$0x10800] =	vst v63  }
0x30: {  	_ = 	snop  }
0x31: {  	[tilespmem:s23], [sflag:$0x2] =	stream.indirect.gather [spmem:s1], $0x20, s22, s20, $0xb8;
	[tilespmem:$0x10800] =	vst v63  }
0x32: {  	_ = 	snop  }
0x33: {  	[tilespmem:s25], [sflag:$0x3] =	stream.indirect.gather [spmem:s1], $0x20, s24, s20, $0xb8;
	[tilespmem:$0x10800] =	vst v63  }
0x34: {  	_ =	swait.ge [sflag:s13], $0x1000  }
0x35: {  	[sflag:s13] =	ssyncset.done $0x0  }
0x36: {  	[sflag:s13] =	ssyncadd.s32 $0xFFFFF000  }
0x37: {  	[spmem:s3] =	stream.indirect.scatter.add.bf16 [tilespmem:s21], [sflag:$0x5], $0x20, s19, s20, $0xb8;
	[tilespmem:$0x10800] =	vst v63  }
0x38: {  	_ = 	snop  }
0x39: {  	[tilespmem:s28], [sflag:$0x4] =	stream.indirect.gather [spmem:s1], $0x20, s26, s20, $0xb8;
	[tilespmem:$0x10800] =	vst v63  }
0x3a: {  	_ =	swait.ge [sflag:s29], $0x1000  }
0x3b: {  	[sflag:s29] =	ssyncset.done $0x0  }
0x3c: {  	[sflag:s29] =	ssyncadd.s32 $0xFFFFF000  }
0x3d: {  	[spmem:s3] =	stream.indirect.scatter.add.bf16 [tilespmem:s23], [sflag:$0x6], $0x20, s30, s20, $0xb8;
	[tilespmem:$0x10800] =	vst v63  }
0x3e: {  	_ =	swait.ge [sflag:s31], $0x1000  }
0x3f: {  	[sflag:s31] =	ssyncset.done $0x0  }
0x40: {  	s17 =	simm.s32 $0xA200;
	[sflag:s31] =	ssyncadd.s32 $0xFFFFF000  }
0x41: {  	[tilespmem:s21], [sflag:$0x1] =	stream.indirect.gather [spmem:s1], $0x20, s17, s20, $0xb8;
	[tilespmem:$0x10800] =	vst v63  }
0x42: {  	_ =	swait.ge [sflag:s0], $0x1000  }
0x43: {  	[sflag:s0] =	ssyncset.done $0x0  }
0x44: {  	s7 =	simm.s32 $0xB500;
	[sflag:s0] =	ssyncadd.s32 $0xFFFFF000  }
0x45: {  	[spmem:s3] =	stream.indirect.scatter.add.bf16 [tilespmem:s25], [sflag:$0x7], $0x20, s7, s20, $0xb8;
	[tilespmem:$0x10800] =	vst v63  }
0x46: {  	_ =	swait.ge [sflag:s2], $0x1000  }
0x47: {  	[sflag:s2] =	ssyncset.done $0x0  }
0x48: {  	s17 =	simm.s32 $0xA280;
	[sflag:s2] =	ssyncadd.s32 $0xFFFFF000  }
0x49: {  	[tilespmem:s23], [sflag:$0x2] =	stream.indirect.gather [spmem:s1], $0x20, s17, s20, $0xb8;
	[tilespmem:$0x10800] =	vst v63  }
0x4a: {  	_ =	swait.ge [sflag:s14], $0x1000  }
0x4b: {  	[sflag:s14] =	ssyncset.done $0x0  }
0x4c: {  	s7 =	simm.s32 $0xB580;
	[sflag:s14] =	ssyncadd.s32 $0xFFFFF000  }
0x4d: {  	[spmem:s3] =	stream.indirect.scatter.add.bf16 [tilespmem:s28], [sflag:$0x8], $0x20, s7, s20, $0xb8;
	[tilespmem:$0x10800] =	vst v63  }
0x4e: {  	_ =	swait.ge [sflag:s10], $0x1000  }
0x4f: {  	[sflag:s10] =	ssyncset.done $0x0  }
0x50: {  	s17 =	simm.s32 $0xA300;
	[sflag:s10] =	ssyncadd.s32 $0xFFFFF000  }
0x51: {  	[tilespmem:s25], [sflag:$0x3] =	stream.indirect.gather [spmem:s1], $0x20, s17, s20, $0xb8;
	[tilespmem:$0x10800] =	vst v63  }
0x52: {  	_ =	swait.ge [sflag:s13], $0x1000  }
0x53: {  	[sflag:s13] =	ssyncset.done $0x0  }
0x54: {  	s7 =	simm.s32 $0xB600;
	[sflag:s13] =	ssyncadd.s32 $0xFFFFF000  }
0x55: {  	[spmem:s3] =	stream.indirect.scatter.add.bf16 [tilespmem:s21], [sflag:$0x5], $0x20, s7, s20, $0xb8;
	[tilespmem:$0x10800] =	vst v63  }
0x56: {  	_ =	swait.ge [sflag:s15], $0x1000  }
0x57: {  	[sflag:s15] =	ssyncset.done $0x0  }
0x58: {  	s17 =	simm.s32 $0xA380;
	[sflag:s15] =	ssyncadd.s32 $0xFFFFF000  }
0x59: {  	[tilespmem:s28], [sflag:$0x4] =	stream.indirect.gather [spmem:s1], $0x20, s17, s20, $0xb8;
	[tilespmem:$0x10800] =	vst v63  }
0x5a: {  	_ =	swait.ge [sflag:s29], $0x1000  }
0x5b: {  	[sflag:s29] =	ssyncset.done $0x0  }
0x5c: {  	s7 =	simm.s32 $0xB680;
	s17 =	simm.s32 $0x800;
	[sflag:s29] =	ssyncadd.s32 $0xFFFFF000  }
.LBB2_3:
0x5d: {  	[spmem:s3] =	stream.indirect.scatter.add.bf16 [tilespmem:s23], [sflag:$0x6], $0x20, s7, s20, $0xb8;
	[tilespmem:$0x10800] =	vst v63  }
0x5e: {  	s4 =	smov.u32 s17  }
0x5f: {  	p0 =	sne.s32 s17, $0x4000;
	s17 =	sadd.s32 $0x800, s17;
	_ =	swait.ge [sflag:s31], $0x1000  }
0x60: {  	s7 =	sshra.s32 s4, $0x2;
	[sflag:s31] =	ssyncset.done $0x0  }
0x61: {  	s4 =	sadd.s32 $0xA200, s7;
	[sflag:s31] =	ssyncadd.s32 $0xFFFFF000  }
0x62: {  	[tilespmem:s21], [sflag:$0x1] =	stream.indirect.gather [spmem:s1], $0x20, s4, s20, $0xb8;
	[tilespmem:$0x10800] =	vst v63  }
0x63: {  	_ =	swait.ge [sflag:s0], $0x1000  }
0x64: {  	[sflag:s0] =	ssyncset.done $0x0  }
0x65: {  	s4 =	sadd.s32 $0xB500, s7;
	[sflag:s0] =	ssyncadd.s32 $0xFFFFF000  }
0x66: {  	[spmem:s3] =	stream.indirect.scatter.add.bf16 [tilespmem:s25], [sflag:$0x7], $0x20, s4, s20, $0xb8;
	[tilespmem:$0x10800] =	vst v63  }
0x67: {  	_ =	swait.ge [sflag:s2], $0x1000  }
0x68: {  	[sflag:s2] =	ssyncset.done $0x0  }
0x69: {  	s4 =	sadd.s32 $0xA280, s7;
	[sflag:s2] =	ssyncadd.s32 $0xFFFFF000  }
0x6a: {  	[tilespmem:s23], [sflag:$0x2] =	stream.indirect.gather [spmem:s1], $0x20, s4, s20, $0xb8;
	[tilespmem:$0x10800] =	vst v63  }
0x6b: {  	_ =	swait.ge [sflag:s14], $0x1000  }
0x6c: {  	[sflag:s14] =	ssyncset.done $0x0  }
0x6d: {  	s4 =	sadd.s32 $0xB580, s7;
	[sflag:s14] =	ssyncadd.s32 $0xFFFFF000  }
0x6e: {  	[spmem:s3] =	stream.indirect.scatter.add.bf16 [tilespmem:s28], [sflag:$0x8], $0x20, s4, s20, $0xb8;
	[tilespmem:$0x10800] =	vst v63  }
0x6f: {  	_ =	swait.ge [sflag:s10], $0x1000  }
0x70: {  	[sflag:s10] =	ssyncset.done $0x0  }
0x71: {  	s4 =	sadd.s32 $0xA300, s7;
	[sflag:s10] =	ssyncadd.s32 $0xFFFFF000  }
0x72: {  	[tilespmem:s25], [sflag:$0x3] =	stream.indirect.gather [spmem:s1], $0x20, s4, s20, $0xb8;
	[tilespmem:$0x10800] =	vst v63  }
0x73: {  	_ =	swait.ge [sflag:s13], $0x1000  }
0x74: {  	[sflag:s13] =	ssyncset.done $0x0  }
0x75: {  	s4 =	sadd.s32 $0xB600, s7;
	[sflag:s13] =	ssyncadd.s32 $0xFFFFF000  }
0x76: {  	[spmem:s3] =	stream.indirect.scatter.add.bf16 [tilespmem:s21], [sflag:$0x5], $0x20, s4, s20, $0xb8;
	[tilespmem:$0x10800] =	vst v63  }
0x77: {  	_ =	swait.ge [sflag:s15], $0x1000  }
0x78: {  	[sflag:s15] =	ssyncset.done $0x0  }
.Ltmp0:
0x79: {  	s4 =	sadd.s32 $0xA380, s7;
	[sflag:s15] =	ssyncadd.s32 $0xFFFFF000;
	(pc) =	sbr.rel @p0 .LBB2_3-.Ltmp0, $4  }
0x7a: {  	[tilespmem:s28], [sflag:$0x4] =	stream.indirect.gather [spmem:s1], $0x20, s4, s20, $0xb8;
	[tilespmem:$0x10800] =	vst v63  }
0x7b: {  	_ =	swait.ge [sflag:s29], $0x1000  }
0x7c: {  	[sflag:s29] =	ssyncset.done $0x0  }
0x7d: {  	s7 =	sadd.s32 $0xB680, s7;
	[sflag:s29] =	ssyncadd.s32 $0xFFFFF000  }
0x7e: {  	[spmem:s3] =	stream.indirect.scatter.add.bf16 [tilespmem:s23], [sflag:$0x6], $0x20, s7, s20, $0xb8;
	[tilespmem:$0x10800] =	vst v63  }
0x7f: {  	_ =	swait.ge [sflag:s31], $0x1000  }
0x80: {  	[sflag:s31] =	ssyncset.done $0x0  }
0x81: {  	[sflag:s31] =	ssyncadd.s32 $0xFFFFF000  }
0x82: {  	_ =	swait.ge [sflag:s0], $0x1000  }
0x83: {  	[sflag:s0] =	ssyncset.done $0x0  }
0x84: {  	[sflag:s0] =	ssyncadd.s32 $0xFFFFF000  }
0x85: {  	[spmem:s3] =	stream.indirect.scatter.add.bf16 [tilespmem:s25], [sflag:$0x7], $0x20, s11, s20, $0xb8;
	[tilespmem:$0x10800] =	vst v63  }
0x86: {  	_ =	swait.ge [sflag:s2], $0x1000  }
0x87: {  	[sflag:s2] =	ssyncset.done $0x0  }
0x88: {  	[sflag:s2] =	ssyncadd.s32 $0xFFFFF000  }
0x89: {  	_ =	swait.ge [sflag:s14], $0x1000  }
0x8a: {  	[sflag:s14] =	ssyncset.done $0x0  }
0x8b: {  	s6 =	sadd.s32 $0x1, s6;
	[sflag:s14] =	ssyncadd.s32 $0xFFFFF000  }
0x8c: {  	[spmem:s3] =	stream.indirect.scatter.add.bf16 [tilespmem:s28], [sflag:$0x8], $0x20, s12, s20, $0xb8;
	[tilespmem:$0x10800] =	vst v63  }
0x8d: {  	p0 =	sne.s32 s6, $0x4;
	_ =	swait.ge [sflag:s10], $0x1000  }
.Ltmp1:
0x8e: {  	[sflag:s10] =	ssyncset.done $0x0;
	(pc) =	sbr.rel @p0 .LBB2_2-.Ltmp1, $4  }
0x8f: {  	[sflag:s10] =	ssyncadd.s32 $0xFFFFF000  }
0x90: {  	_ =	swait.ge [sflag:s15], $0x1000  }
0x91: {  	[sflag:s15] =	ssyncset.done $0x0  }
0x92: {  	[sflag:s15] =	ssyncadd.s32 $0xFFFFF000  }
0x93: {  	[bflag:$0x0] =	sbarrier.arrive $0xFFFF  }
0x94: {  	s6 =	rddreg [dreg:$0x6]  }
0x95: {  	s4 =	rddreg [dreg:$0x7]  }
0x96: {  	s7 =	rddreg [dreg:$0xa]  }
0x97: {  	[hbm:s4@s15], [sflag:s6] =	dma.strided [spmem:s7@s14], $0x9C4, s13, $0x4   }
0x98: {  	_ =	swait.ge [sflag:s16], $0x9C4  }
0x99: {  	s17 =	rddreg [dreg:$0x4]  }
0x9a: {  	s4 =	rddreg [dreg:$0x8];
	s17 =	sadd.s32 $0x1, s17  }
0x9b: {  	p0 =	sne.s32 s17, s4  }
.Ltmp2:
0x9c: {  	_ = 	snop;
	(pc) =	sbr.rel @p0 .LBB2_1-.Ltmp2, $3  }
0x9d: {  	_ =	sdelay $0x1  }
0x9e: {  	[sflag:s16] =	ssyncset.done $0x0  }
0x9f: {  	[sflag:s16] =	ssyncadd.s32 $0xFFFFF63C  }
0xa0: {  	_ =	sfence.sel $0x180000  }
0xa1: {  	[bflag:$0x0] =	sbarrier.arrive $0xFFFF  }
0xa2: {  	_ =	strace $0x9000004D  }
0xa3: {  	s0 =	stileid.u32;
	[bflag:$0x2] =	sbarrier.arrive $0xFFFF  }
0xa4: {  	p0 =	sne.s32 s0, $0x0;
	s0 =	rddreg [dreg:$0x3]  }
0xa5: {  	s0 =	sadd.s32 @!p0 $0x100000, s0  }
0xa6: {  	[sflag:s0] =	ssyncadd.tile.s32 @!p0 $0x1;
	_ =	shalt  }
.Lfunc_end2:
_tile_overlayer_lowered:
.L_overlay_start_2:
0xa7: {  	(tag) =	ssettag $0x2  }
0xa8: {  	s0 =	rddreg [dreg:$0x0];
	s2 =	stileid.u32  }
0xa9: {  	s1 =	rddreg [dreg:$0x1];
	p0 =	sne.s32 s2, $0x0  }
0xaa: {  	s3 =	rddreg [dreg:$0x2];
	[bflag:$0x3] =	sbarrier.arrive $0xFFFF;
	s2 =	simm.s32 @!p0 $0x1C09  }
0xab: {  	[timem:s3], [sflag:s2] =	dma.local @!p0 [hbm:s0], s1  }
0xac: {  	s0 =	simm.s32 @!p0 $0x9  }
0xad: {  	_ =	swait.ge @!p0 [sflag:s0], s1  }
0xae: {  	s1 =	ssub.s32 @!p0 $0x0, s1;
	[sflag:s0] =	ssyncset.done @!p0 $0x0  }
0xaf: {  	[sflag:s0] =	ssyncadd.s32 @!p0 s1  }
0xb0: {  	[bflag:$0x3] =	sbarrier.arrive $0xFFFF  }
0xb1: {  	_ =	shalt  }

// kernel: kernel.9.cloned.1.call-start
scs
__scs_entry_jumppad:
0x0: {  	(pc) =	sbr.rel $0x88, $3  }
0x1: {  	(tag) =	ssettag $0x0;
	lr =	simm.s32 $0x1  }
0x2: {  	[smem:$0x3F99] =	sst lr;
	_ =	strace $0xD0000000  }
0x3: {  	_ = 	snop  }
0x4: {  	_ = 	snop  }
0x5: {  	_ = 	snop  }
0x6: {  	_ = 	snop  }
0x7: {  	_ = 	snop  }
__scs_overlays_trampoline_lowered:
0x8: {  	[smem:$0x3FA8] =	sst s0  }
0x9: {  	[smem:$0x3FA9] =	sst s1  }
0xa: {  	[smem:$0x3FAA] =	sst s2  }
0xb: {  	[smem:$0x3FAB] =	sst s3  }
0xc: {  	[smem:$0x3FAC] =	sst s4  }
0xd: {  	[smem:$0x3FAD] =	sst s5  }
0xe: {  	[smem:$0x3FAE] =	sst s6  }
0xf: {  	[smem:$0x3FAF] =	sst s7  }
0x10: {  	[smem:$0x3FB0] =	sst s8  }
0x11: {  	[smem:$0x3FB1] =	sst s9;
	s0 =	simm.s32 @!p0 $0x0  }
0x12: {  	s1 =	sld [smem:$0x3F97];
	s0 =	simm.s32 @p0 $0x1  }
0x13: {  	[smem:$0x3FB2] =	sst s0;
	s0 =	simm.s32 @!p1 $0x0  }
0x14: {  	s2 =	sld [smem:$0x3F96];
	s0 =	simm.s32 @p1 $0x1  }
0x15: {  	[smem:$0x3FB3] =	sst s0;
	s0 =	simm.s32 @!p2 $0x0  }
0x16: {  	s3 =	sld [smem:$0x3FDB];
	s0 =	simm.s32 @p2 $0x1  }
0x17: {  	s4 =	simm.s32 $0x1BF5;
	[smem:$0x3FB5] =	sst s0  }
0x18: {  	s0 =	sld [smem:$0x3F98];
	_ =	swait.ge [sflag:s4], $0x0  }
0x19: {  	s7 =	sld [smem:$0x3F99]  }
0x1a: {  	s8 =	sadd.s32 $0xFFFFE003, lr  }
0x1b: {  	s9 =	sadd.s32 $0xFFFFFEF7, lr;
	s5 =	simm.s32 $0xFFFFFFFF;
	p2 =	slt.u32 s8, $0xFFFFF086  }
0x1c: {  	p1 =	slt.u32 s9, $0xF7A;
	s5 =	simm.s32 @!p2 $0x0  }
0x1d: {  	s5 =	simm.s32 @p1 $0x1;
	p0 =	seq.s32 s7, s2  }
0x1e: {  	s7 =	smul.u32 @!p0 $0xF7A, s2;
	p2 =	seq.s32 @!p0 s5, $0x0  }
0x1f: {  	s9 =	smul.u32 $0xF7A, s1;
	s8 =	simm.s32 @!p0 $0x1BF5;
	p2 =	por !p2, p0  }
0x20: {  	[sflag:s8] =	ssyncset.s32 @!p0 $0xFFFFF086;
	s6 =	sadd.s32 @!p0 s3, s7;
	s7 =	simm.s32 @!p0 $0x108  }
0x21: {  	s3 =	sadd.s32 s3, s9;
	s6 =	sadd.s32 @!p0 $0x88, s6;
	s7 =	simm.s32 @p2 $0x1082  }
0x22: {  	[simem:s7], [sflag:s8] =	dma.local @!p0 [hbm:s6], $0xF7A  }
0x23: {  	s9 =	sor.u32 $0xD0000000, s2;
	s6 =	simm.s32 $0x108;
	_ =	swait.ge @!p0 [sflag:s8], $0x0  }
0x24: {  	s3 =	sadd.s32 $0x88, s3;
	s6 =	simm.s32 @!p1 $0x1082;
	[sflag:s4] =	ssyncset.s32 $0xFFFFF086  }
0x25: {  	[simem:s6], [sflag:s4] =	dma.local [hbm:s3], $0xF7A  }
0x26: {  	[smem:$0x3F99] =	sst s1;
	(tag) =	ssettag s2;
	_ =	strace s9  }
0x27: {  	s1 =	sld [smem:$0x3FA9]  }
0x28: {  	s2 =	sld [smem:$0x3FAA]  }
0x29: {  	s4 =	sld [smem:$0x3FAC]  }
0x2a: {  	p0 =	seq.s32 s5, $0x0;
	s5 =	sld [smem:$0x3FAD]  }
0x2b: {  	s6 =	sld [smem:$0x3FAE]  }
0x2c: {  	s7 =	sld [smem:$0x3FAF]  }
0x2d: {  	s3 =	simm.s32 $0x108;
	s8 =	sld [smem:$0x3FB0]  }
0x2e: {  	s3 =	simm.s32 @!p0 $0x1082;
	s9 =	sld [smem:$0x3FB1]  }
0x2f: {  	lr =	sadd.s32 s0, s3;
	s0 =	sld [smem:$0x3FA8]  }
0x30: {  	s3 =	sld [smem:$0x3FAB]  }
0x31: {  	[smem:$0x3FB4] =	sst s10  }
0x32: {  	s10 =	sld [smem:$0x3FB2];
	_ =	sdelay $0x3  }
0x33: {  	p0 =	seq.s32 s10, $0x1;
	s10 =	sld [smem:$0x3FB4];
	_ =	sdelay $0x3  }
0x34: {  	[smem:$0x3FB4] =	sst s10  }
0x35: {  	s10 =	sld [smem:$0x3FB3];
	_ =	sdelay $0x3  }
0x36: {  	p1 =	seq.s32 s10, $0x1;
	s10 =	sld [smem:$0x3FB4];
	_ =	sdelay $0x3  }
0x37: {  	[smem:$0x3FB4] =	sst s10  }
0x38: {  	s10 =	sld [smem:$0x3FB5]  }
0x39: {  	_ = 	snop;
	(pc) =	sbr.ind lr, $3  }
0x3a: {  	_ = 	snop  }
0x3b: {  	_ = 	snop  }
0x3c: {  	p2 =	seq.s32 s10, $0x1;
	s10 =	sld [smem:$0x3FB4]  }
0x3d: {  	_ =	shalt  }
0x3e: {  	_ =	shalt  }
0x3f: {  	_ =	shalt  }
0x40: {  	_ =	shalt  }
0x41: {  	_ =	shalt  }
0x42: {  	_ =	shalt  }
0x43: {  	_ =	shalt  }
0x44: {  	_ =	shalt  }
0x45: {  	_ =	shalt  }
0x46: {  	_ =	shalt  }
0x47: {  	_ =	shalt  }
0x48: {  	_ =	shalt  }
0x49: {  	_ =	shalt  }
0x4a: {  	_ =	shalt  }
0x4b: {  	_ =	shalt  }
0x4c: {  	_ =	shalt  }
0x4d: {  	_ =	shalt  }
0x4e: {  	_ =	shalt  }
0x4f: {  	_ =	shalt  }
0x50: {  	_ =	shalt  }
0x51: {  	_ =	shalt  }
0x52: {  	_ =	shalt  }
0x53: {  	_ =	shalt  }
0x54: {  	_ =	shalt  }
0x55: {  	_ =	shalt  }
0x56: {  	_ =	shalt  }
0x57: {  	_ =	shalt  }
0x58: {  	_ =	shalt  }
0x59: {  	_ =	shalt  }
0x5a: {  	_ =	shalt  }
0x5b: {  	_ =	shalt  }
0x5c: {  	_ =	shalt  }
0x5d: {  	_ =	shalt  }
0x5e: {  	_ =	shalt  }
0x5f: {  	_ =	shalt  }
0x60: {  	_ =	shalt  }
0x61: {  	_ =	shalt  }
0x62: {  	_ =	shalt  }
0x63: {  	_ =	shalt  }
0x64: {  	_ =	shalt  }
0x65: {  	_ =	shalt  }
0x66: {  	_ =	shalt  }
0x67: {  	_ =	shalt  }
0x68: {  	_ =	shalt  }
0x69: {  	_ =	shalt  }
0x6a: {  	_ =	shalt  }
0x6b: {  	_ =	shalt  }
0x6c: {  	_ =	shalt  }
0x6d: {  	_ =	shalt  }
0x6e: {  	_ =	shalt  }
0x6f: {  	_ =	shalt  }
0x70: {  	_ =	shalt  }
0x71: {  	_ =	shalt  }
0x72: {  	_ =	shalt  }
0x73: {  	_ =	shalt  }
0x74: {  	_ =	shalt  }
0x75: {  	_ =	shalt  }
0x76: {  	_ =	shalt  }
0x77: {  	_ =	shalt  }
0x78: {  	_ =	shalt  }
0x79: {  	_ =	shalt  }
0x7a: {  	_ =	shalt  }
0x7b: {  	_ =	shalt  }
0x7c: {  	_ =	shalt  }
0x7d: {  	_ =	shalt  }
0x7e: {  	_ =	shalt  }
0x7f: {  	_ =	shalt  }
0x80: {  	_ =	shalt  }
0x81: {  	_ =	shalt  }
0x82: {  	_ =	shalt  }
0x83: {  	_ =	shalt  }
0x84: {  	_ =	shalt  }
0x85: {  	_ =	shalt  }
0x86: {  	_ =	shalt  }
0x87: {  	_ =	shalt  }
.Lfunc_end0:
.L_simem_size_0:
called_computation_lowered:
.L_overlay_start_0:
0x88: {  	s2 =	sld [smem:$0x3FD9]  }
0x89: {  	s3 =	sld [smem:$0x3FFE];
	_ =	sdelay $0x1  }
0x8a: {  	s1 =	srdreg.scid  }
0x8b: {  	s0 =	sand.u32 $0x1, s1  }
0x8c: {  	s16 =	sshll.u32 s0, $0xA;
	s2 =	sadd.s32 s3, s2  }
0x8d: {  	s2 =	sadd.s32 s2, s16  }
0x8e: {  	[smem:$0x3FC0] =	sst s2  }
0x8f: {  	_ = 	snop  }
0x90: {  	(tm) =	ssettm $0x1  }
0x91: {  	s17 =	sld [smem:$0x3FFB];
	_ =	sdelay $0x3  }
0x92: {  	_ =	strace s17  }
0x93: {  	s2 =	sld [smem:$0x3FFC];
	_ =	sdelay $0x3  }
0x94: {  	_ =	strace s2  }
0x95: {  	s2 =	sld [smem:$0x3FFD];
	_ =	sdelay $0x3  }
0x96: {  	_ =	strace s2  }
0x97: {  	_ =	strace $0x8FFFFFFF  }
0x98: {  	s18 =	sld [smem:$0x3FDB];
	_ =	sdelay $0x1  }
0x99: {  	s19 =	simm.s32 $_scs_section_size  }
0x9a: {  	s4 =	simm.s32 $_size__tile_overlayer_lowered;
	s5 =	simm.s32 $_tile_overlayer_lowered  }
0x9b: {  	s22 =	simm.s32 $0x1BFF;
	s21 =	sshll.u32 s5, $0x1;
	s2 =	sadd.s32 s19, s18  }
0x9c: {  	s6 =	simm.s32 $0x0;
	s20 =	sshll.u32 s4, $0x1;
	s4 =	sadd.s32 s21, s2  }
0x9d: {  	[timem:s6], [sflag:s22] =	dma.local [hbm:s4], s20  }
0x9e: {  	_ =	swait.ge [sflag:s22], s20  }
0x9f: {  	s3 =	ssub.s32 $0x0, s20;
	[sflag:s22] =	ssyncset.done $0x0  }
0xa0: {  	[sflag:s22] =	ssyncadd.s32 s3;
	_ =	sdelay $0x1  }
0xa1: {  	s23 =	simm.s32 $0x1B8B  }
0xa2: {  	_ =	swait.ge [sflag:s23], $0x1  }
0xa3: {  	[sflag:s23] =	ssyncset.done $0x0  }
0xa4: {  	s25 =	simm.s32 $0x1B8E;
	s24 =	sld [smem:$0x3FFE];
	[sflag:s23] =	ssyncadd.s32 $0xFFFFFFFF  }
0xa5: {  	s26 =	simm.s32 $execute0_lowered;
	[smem:$0x3FD2] =	sst s25  }
0xa6: {  	s4 =	sshll.u32 s26, $0x1;
	_ =	strace $0x80000046;
	[dreg:$0x1] =	wrdreg $0xFFFFFFFF  }
0xa7: {  	s28 =	simm.s32 $_size_execute0_lowered;
	s2 =	sadd.s32 s2, s4;
	[dreg:$0x0] =	wrdreg $0x0  }
0xa8: {  	s4 =	sshll.u32 s28, $0x1;
	[dreg:$0x2] =	wrdreg s2  }
0xa9: {  	[dreg:$0x3] =	wrdreg s4  }
0xaa: {  	[dreg:$0x4] =	wrdreg $0xC0  }
0xab: {  	_ =	task [dreg:s6], $0x5FFFF  }
0xac: {  	[dreg:$0x1] =	wrdreg $0xFFFFFFFF  }
0xad: {  	[dreg:$0x0] =	wrdreg $0x60  }
0xae: {  	[dreg:$0x2] =	wrdreg s24  }
0xaf: {  	[dreg:$0x3] =	wrdreg $0x0  }
0xb0: {  	[dreg:$0x4] =	wrdreg $0x9  }
0xb1: {  	_ =	task.clear_ibuf [dreg:s6], $0x5FFFF;
	_ =	strace $0x90000046  }
0xb2: {  	s29 =	simm.s32 $0x9;
	_ =	strace $0x80000048  }
0xb3: {  	_ =	swait.ge [sflag:s29], $0x1  }
0xb4: {  	[sflag:s29] =	ssyncadd.s32 $0xFFFFFFFF  }
0xb5: {  	_ =	strace $0x90000048  }
0xb6: {  	_ =	sfence  }
0xb7: {  	s30 =	sld [smem:$0x0];
	_ =	sdelay $0x2  }
0xb8: {  	s31 =	sshll.u32 s1, $0xD;
	s1 =	sshrl.u32 s1, $0x2  }
0xb9: {  	s3 =	sand.u32 $0x4000, s31;
	s1 =	sadd.s32 s1, s30  }
0xba: {  	s0 =	sor.u32 s3, s0;
	s1 =	sshll.u32 s1, $0x11  }
0xbb: {  	s0 =	sor.u32 s1, s0  }
0xbc: {  	s0 =	sadd.s32 $0x8F2B, s0  }
0xbd: {  	[sflag:s0] =	ssyncadd.remote.s32 $0x1  }
0xbe: {  	_ =	sfence.sel $0xFFFF  }
0xbf: {  	[dreg:$0x0] =	wrdreg $0xFFFFFFFF;
	(pc) =	sbr.abs _section_cstart, $3  }
0xc0: {  	[dreg:$0x1] =	wrdreg $0xFFFFFFFF  }
0xc1: {  	_ =	task.clear_ibuf [dreg:s6], $0x2FFFF;
	_ =	strace $0x9FFFFFFF  }
0xc2: {  	(tm) =	ssettm $0x7FFFFFFF  }
0xc3: {  	_ =	shalt  }
tec
execute0_lowered:
.L_overlay_start_1:
0x0: {  	(tag) =	ssettag $0x1  }
0x1: {  	s6 =	rddreg [dreg:$0x0]  }
0x2: {  	s1 =	rddreg [dreg:$0x1];
	s2 =	srdreg.scid  }
0x3: {  	s0 =	rddreg [dreg:$0x2];
	s12 =	stileid.u32  }
0x4: {  	s9 =	simm.s32 $0x578;
	s10 =	simm.s32 $0x80;
	s11 =	simm.s32 $0x4F8  }
0x5: {  	s14 =	simm.s32 $0x0;
	s3 =	sand.u32 $0x1, s2;
	s2 =	simm.s32 $0x0  }
0x6: {  	s7 =	smul.u32 $0x9E0, s12;
	s4 =	sshll.u32 s3, $0x4;
	s5 =	ssub.s32 $0x2, s3  }
0x7: {  	[smem:$0x7FF] =	sst s2;
	p0 =	seq.s32 s3, $0x1;
	s4 =	sor.u32 s12, s4  }
0x8: {  	s8 =	sshrl.u32 s5, $0x1;
	_ =	strace $0x80000047;
	s7 =	sshrl.u32 s7, $0x2  }
0x9: {  	s4 =	smul.u32 $0x2800, s4;
	s5 =	ssub.s32 s5, s8;
	s8 =	simm.s32 $0x16E00  }
0xa: {  	s3 =	sadd.s32 s7, s1;
	s7 =	simm.s32 $0x278;
	s8 =	simm.s32 @!p0 $0x16800  }
0xb: {  	s5 =	smax.u32 s5, $0x1;
	p0 =	sne.s32 s12, $0x0;
	s4 =	sshrl.u32 s4, $0x3  }
0xc: {  	s12 =	simm.s32 $0x1;
	s13 =	sshrl.u32 @!p0 s1, $0x3;
	s4 =	sadd.s32 s6, s4  }
0xd: {  	v0 =	vimm.f32 $0.0e+00;
	v1 =	vimm.f32 $1.000000000e+00;
	s6 =	sadd.s32 s8, s6;
	s8 =	simm.s32 $0x2;
	s4 =	sadd.s32 $0xC800, s4  }
.LBB2_1:
0xe: {  	[tilespmem:$0x278] =	vst v0  }
0xf: {  	[tilespmem:$0x288] =	vst v0  }
0x10: {  	[tilespmem:$0x298] =	vst v0  }
0x11: {  	[tilespmem:$0x2A8] =	vst v0  }
0x12: {  	[tilespmem:$0x2B8] =	vst v0  }
0x13: {  	[tilespmem:$0x2C8] =	vst v0  }
0x14: {  	[tilespmem:$0x2D8] =	vst v0  }
0x15: {  	[tilespmem:$0x2E8] =	vst v0  }
0x16: {  	[tilespmem:$0x2F8] =	vst v0  }
0x17: {  	[tilespmem:$0x308] =	vst v0  }
0x18: {  	[tilespmem:$0x318] =	vst v0  }
0x19: {  	[tilespmem:$0x328] =	vst v0  }
0x1a: {  	[tilespmem:$0x338] =	vst v0  }
0x1b: {  	[tilespmem:$0x348] =	vst v0  }
0x1c: {  	[tilespmem:$0x358] =	vst v0  }
0x1d: {  	[tilespmem:$0x368] =	vst v0  }
0x1e: {  	[tilespmem:$0x378] =	vst v0  }
0x1f: {  	[tilespmem:$0x388] =	vst v0  }
0x20: {  	[tilespmem:$0x398] =	vst v0  }
0x21: {  	[tilespmem:$0x3A8] =	vst v0  }
0x22: {  	[tilespmem:$0x3B8] =	vst v0  }
0x23: {  	[tilespmem:$0x3C8] =	vst v0  }
0x24: {  	[tilespmem:$0x3D8] =	vst v0  }
0x25: {  	[tilespmem:$0x3E8] =	vst v0  }
0x26: {  	[tilespmem:$0x3F8] =	vst v0  }
0x27: {  	[tilespmem:$0x408] =	vst v0  }
0x28: {  	[tilespmem:$0x418] =	vst v0  }
0x29: {  	[tilespmem:$0x428] =	vst v0  }
0x2a: {  	[tilespmem:$0x438] =	vst v0  }
0x2b: {  	[tilespmem:$0x448] =	vst v0  }
0x2c: {  	[tilespmem:$0x458] =	vst v0  }
0x2d: {  	[tilespmem:$0x468] =	vst v0  }
0x2e: {  	[tilespmem:$0x478] =	vst v0  }
0x2f: {  	[tilespmem:$0x488] =	vst v0  }
0x30: {  	[tilespmem:$0x498] =	vst v0  }
0x31: {  	[tilespmem:$0x4A8] =	vst v0  }
0x32: {  	[tilespmem:$0x4B8] =	vst v0  }
0x33: {  	[tilespmem:$0x4C8] =	vst v0  }
0x34: {  	[tilespmem:$0x4D8] =	vst v0  }
0x35: {  	[tilespmem:$0x4E8] =	vst v0  }
0x36: {  	[tilespmem:$0x4F8] =	vst v1  }
0x37: {  	[tilespmem:$0x508] =	vst v1  }
0x38: {  	[tilespmem:$0x518] =	vst v1  }
0x39: {  	[tilespmem:$0x528] =	vst v1  }
0x3a: {  	[tilespmem:$0x538] =	vst v1  }
0x3b: {  	[tilespmem:$0x548] =	vst v1  }
0x3c: {  	[tilespmem:$0x558] =	vst v1  }
0x3d: {  	[tilespmem:$0x568] =	vst v1  }
0x3e: {  	[spmem:s3] =	stream.linear.scatter [tilespmem:s7], [sflag:$0x2], $0x278, $0x38;
	[tilespmem:$0x2D78] =	vst v63  }
0x3f: {  	_ =	swait.ge [sflag:s8], $0x278  }
0x40: {  	[sflag:s8] =	ssyncset.done $0x0  }
0x41: {  	[sflag:s8] =	ssyncadd.s32 $0xFFFFFD88  }
0x42: {  	[tilespmem:s9], [sflag:$0x2] =	stream.linear.gather [hbm4b:s4+s2], $0x2800, $0x38;
	[tilespmem:$0x2D78] =	vst v63  }
0x43: {  	_ =	swait.ge [sflag:s8], $0x2800  }
0x44: {  	[sflag:s8] =	ssyncset.done $0x0  }
0x45: {  	[sflag:s8] =	ssyncadd.s32 $0xFFFFD800  }
0x46: {  	s15 =	simm.s32 $0x578;
	[bflag:$0x0] =	sbarrier.arrive $0xFFFF  }
0x47: {  	[spmem:s1] =	stream.indirect.scatter.add.f32 [tilespmem:s11], [sflag:$0x1], $0x1, s15, s10, $0xb8;
	[tilespmem:$0x2D78] =	vst v63  }
0x48: {  	s24 =	simm.s32 $0x5F8  }
0x49: {  	[spmem:s1] =	stream.indirect.scatter.add.f32 [tilespmem:s11], [sflag:$0x1], $0x1, s24, s10, $0xb8;
	[tilespmem:$0x2D78] =	vst v63  }
0x4a: {  	s25 =	simm.s32 $0x678  }
0x4b: {  	[spmem:s1] =	stream.indirect.scatter.add.f32 [tilespmem:s11], [sflag:$0x1], $0x1, s25, s10, $0xb8;
	[tilespmem:$0x2D78] =	vst v63  }
0x4c: {  	s26 =	simm.s32 $0x6F8  }
0x4d: {  	[spmem:s1] =	stream.indirect.scatter.add.f32 [tilespmem:s11], [sflag:$0x1], $0x1, s26, s10, $0xb8;
	[tilespmem:$0x2D78] =	vst v63  }
0x4e: {  	s28 =	simm.s32 $0x778  }
0x4f: {  	[spmem:s1] =	stream.indirect.scatter.add.f32 [tilespmem:s11], [sflag:$0x1], $0x1, s28, s10, $0xb8;
	[tilespmem:$0x2D78] =	vst v63  }
0x50: {  	s29 =	simm.s32 $0x7F8  }
0x51: {  	[spmem:s1] =	stream.indirect.scatter.add.f32 [tilespmem:s11], [sflag:$0x1], $0x1, s29, s10, $0xb8;
	[tilespmem:$0x2D78] =	vst v63  }
0x52: {  	s30 =	simm.s32 $0x878  }
0x53: {  	[spmem:s1] =	stream.indirect.scatter.add.f32 [tilespmem:s11], [sflag:$0x1], $0x1, s30, s10, $0xb8;
	[tilespmem:$0x2D78] =	vst v63  }
0x54: {  	s31 =	simm.s32 $0x8F8  }
0x55: {  	[spmem:s1] =	stream.indirect.scatter.add.f32 [tilespmem:s11], [sflag:$0x1], $0x1, s31, s10, $0xb8;
	[tilespmem:$0x2D78] =	vst v63  }
0x56: {  	_ =	swait.ge [sflag:s12], $0x80  }
0x57: {  	[sflag:s12] =	ssyncset.done $0x0  }
0x58: {  	[sflag:s12] =	ssyncadd.s32 $0xFFFFFF80  }
0x59: {  	_ =	swait.ge [sflag:s12], $0x80  }
0x5a: {  	[sflag:s12] =	ssyncset.done $0x0  }
0x5b: {  	[sflag:s12] =	ssyncadd.s32 $0xFFFFFF80  }
0x5c: {  	_ =	swait.ge [sflag:s12], $0x80  }
0x5d: {  	[sflag:s12] =	ssyncset.done $0x0  }
0x5e: {  	[sflag:s12] =	ssyncadd.s32 $0xFFFFFF80  }
0x5f: {  	_ =	swait.ge [sflag:s12], $0x80  }
0x60: {  	[sflag:s12] =	ssyncset.done $0x0  }
0x61: {  	[sflag:s12] =	ssyncadd.s32 $0xFFFFFF80  }
0x62: {  	_ =	swait.ge [sflag:s12], $0x80  }
0x63: {  	[sflag:s12] =	ssyncset.done $0x0  }
0x64: {  	[sflag:s12] =	ssyncadd.s32 $0xFFFFFF80  }
0x65: {  	_ =	swait.ge [sflag:s12], $0x80  }
0x66: {  	[sflag:s12] =	ssyncset.done $0x0  }
0x67: {  	[sflag:s12] =	ssyncadd.s32 $0xFFFFFF80  }
0x68: {  	_ =	swait.ge [sflag:s12], $0x80  }
0x69: {  	[sflag:s12] =	ssyncset.done $0x0  }
0x6a: {  	[sflag:s12] =	ssyncadd.s32 $0xFFFFFF80  }
0x6b: {  	_ =	swait.ge [sflag:s12], $0x80  }
0x6c: {  	s18 =	simm.s32 $0x2000;
	s17 =	simm.s32 $0x400;
	[sflag:s12] =	ssyncset.done $0x0  }
.LBB2_2:
0x6d: {  	s19 =	sadd.s32 $0x578, s17  }
0x6e: {  	[sflag:s12] =	ssyncadd.s32 $0xFFFFFF80;
	s16 =	smov.u32 s18;
	s15 =	sadd.s32 $0x1000, s18  }
0x6f: {  	[spmem:s1] =	stream.indirect.scatter.add.f32 [tilespmem:s11], [sflag:$0x1], $0x1, s19, s10, $0xb8;
	[tilespmem:$0x2D78] =	vst v63  }
0x70: {  	p1 =	sne.s32 s18, $0x9000;
	s18 =	sadd.s32 $0x5F8, s17  }
0x71: {  	[spmem:s1] =	stream.indirect.scatter.add.f32 [tilespmem:s11], [sflag:$0x1], $0x1, s18, s10, $0xb8;
	[tilespmem:$0x2D78] =	vst v63  }
0x72: {  	s18 =	sadd.s32 $0x678, s17  }
0x73: {  	[spmem:s1] =	stream.indirect.scatter.add.f32 [tilespmem:s11], [sflag:$0x1], $0x1, s18, s10, $0xb8;
	[tilespmem:$0x2D78] =	vst v63  }
0x74: {  	s18 =	sadd.s32 $0x6F8, s17  }
0x75: {  	[spmem:s1] =	stream.indirect.scatter.add.f32 [tilespmem:s11], [sflag:$0x1], $0x1, s18, s10, $0xb8;
	[tilespmem:$0x2D78] =	vst v63  }
0x76: {  	s18 =	sadd.s32 $0x778, s17  }
0x77: {  	[spmem:s1] =	stream.indirect.scatter.add.f32 [tilespmem:s11], [sflag:$0x1], $0x1, s18, s10, $0xb8;
	[tilespmem:$0x2D78] =	vst v63  }
0x78: {  	s18 =	sadd.s32 $0x7F8, s17  }
0x79: {  	[spmem:s1] =	stream.indirect.scatter.add.f32 [tilespmem:s11], [sflag:$0x1], $0x1, s18, s10, $0xb8;
	[tilespmem:$0x2D78] =	vst v63  }
0x7a: {  	s18 =	sadd.s32 $0x878, s17  }
0x7b: {  	[spmem:s1] =	stream.indirect.scatter.add.f32 [tilespmem:s11], [sflag:$0x1], $0x1, s18, s10, $0xb8;
	[tilespmem:$0x2D78] =	vst v63  }
0x7c: {  	s17 =	sadd.s32 $0x8F8, s17  }
0x7d: {  	[spmem:s1] =	stream.indirect.scatter.add.f32 [tilespmem:s11], [sflag:$0x1], $0x1, s17, s10, $0xb8;
	[tilespmem:$0x2D78] =	vst v63  }
0x7e: {  	_ =	swait.ge [sflag:s12], $0x80  }
0x7f: {  	[sflag:s12] =	ssyncset.done $0x0  }
0x80: {  	[sflag:s12] =	ssyncadd.s32 $0xFFFFFF80  }
0x81: {  	_ =	swait.ge [sflag:s12], $0x80  }
0x82: {  	[sflag:s12] =	ssyncset.done $0x0  }
0x83: {  	[sflag:s12] =	ssyncadd.s32 $0xFFFFFF80  }
0x84: {  	_ =	swait.ge [sflag:s12], $0x80  }
0x85: {  	[sflag:s12] =	ssyncset.done $0x0  }
0x86: {  	[sflag:s12] =	ssyncadd.s32 $0xFFFFFF80  }
0x87: {  	_ =	swait.ge [sflag:s12], $0x80  }
0x88: {  	[sflag:s12] =	ssyncset.done $0x0  }
0x89: {  	[sflag:s12] =	ssyncadd.s32 $0xFFFFFF80  }
0x8a: {  	_ =	swait.ge [sflag:s12], $0x80  }
0x8b: {  	[sflag:s12] =	ssyncset.done $0x0  }
0x8c: {  	[sflag:s12] =	ssyncadd.s32 $0xFFFFFF80  }
0x8d: {  	_ =	swait.ge [sflag:s12], $0x80  }
0x8e: {  	[sflag:s12] =	ssyncset.done $0x0  }
0x8f: {  	[sflag:s12] =	ssyncadd.s32 $0xFFFFFF80  }
.Ltmp0:
0x90: {  	_ =	swait.ge [sflag:s12], $0x80;
	(pc) =	sbr.rel @p1 .LBB2_2-.Ltmp0, $4  }
0x91: {  	[sflag:s12] =	ssyncset.done $0x0  }
0x92: {  	[sflag:s12] =	ssyncadd.s32 $0xFFFFFF80  }
0x93: {  	_ =	swait.ge [sflag:s12], $0x80  }
0x94: {  	s18 =	smov.u32 s15;
	s17 =	sshra.s32 s16, $0x2;
	[sflag:s12] =	ssyncset.done $0x0  }
0x95: {  	s15 =	sadd.s32 $0x578, s17;
	[sflag:s12] =	ssyncadd.s32 $0xFFFFFF80  }
0x96: {  	[spmem:s1] =	stream.indirect.scatter.add.f32 [tilespmem:s11], [sflag:$0x1], $0x1, s15, s10, $0xb8;
	[tilespmem:$0x2D78] =	vst v63  }
0x97: {  	s24 =	sadd.s32 $0x5F8, s17  }
0x98: {  	[spmem:s1] =	stream.indirect.scatter.add.f32 [tilespmem:s11], [sflag:$0x1], $0x1, s24, s10, $0xb8;
	[tilespmem:$0x2D78] =	vst v63  }
0x99: {  	s25 =	sadd.s32 $0x678, s17  }
0x9a: {  	[spmem:s1] =	stream.indirect.scatter.add.f32 [tilespmem:s11], [sflag:$0x1], $0x1, s25, s10, $0xb8;
	[tilespmem:$0x2D78] =	vst v63  }
0x9b: {  	s26 =	sadd.s32 $0x6F8, s17  }
0x9c: {  	[spmem:s1] =	stream.indirect.scatter.add.f32 [tilespmem:s11], [sflag:$0x1], $0x1, s26, s10, $0xb8;
	[tilespmem:$0x2D78] =	vst v63  }
0x9d: {  	s28 =	sadd.s32 $0x778, s17  }
0x9e: {  	[spmem:s1] =	stream.indirect.scatter.add.f32 [tilespmem:s11], [sflag:$0x1], $0x1, s28, s10, $0xb8;
	[tilespmem:$0x2D78] =	vst v63  }
0x9f: {  	s29 =	sadd.s32 $0x7F8, s17  }
0xa0: {  	[spmem:s1] =	stream.indirect.scatter.add.f32 [tilespmem:s11], [sflag:$0x1], $0x1, s29, s10, $0xb8;
	[tilespmem:$0x2D78] =	vst v63  }
0xa1: {  	s30 =	sadd.s32 $0x878, s17  }
0xa2: {  	[spmem:s1] =	stream.indirect.scatter.add.f32 [tilespmem:s11], [sflag:$0x1], $0x1, s30, s10, $0xb8;
	[tilespmem:$0x2D78] =	vst v63  }
0xa3: {  	s31 =	sadd.s32 $0x8F8, s17  }
0xa4: {  	[spmem:s1] =	stream.indirect.scatter.add.f32 [tilespmem:s11], [sflag:$0x1], $0x1, s31, s10, $0xb8;
	[tilespmem:$0x2D78] =	vst v63  }
0xa5: {  	_ =	swait.ge [sflag:s12], $0x80  }
0xa6: {  	[sflag:s12] =	ssyncset.done $0x0  }
0xa7: {  	[sflag:s12] =	ssyncadd.s32 $0xFFFFFF80  }
0xa8: {  	_ =	swait.ge [sflag:s12], $0x80  }
0xa9: {  	[sflag:s12] =	ssyncset.done $0x0  }
0xaa: {  	[sflag:s12] =	ssyncadd.s32 $0xFFFFFF80  }
0xab: {  	_ =	swait.ge [sflag:s12], $0x80  }
0xac: {  	[sflag:s12] =	ssyncset.done $0x0  }
0xad: {  	[sflag:s12] =	ssyncadd.s32 $0xFFFFFF80  }
0xae: {  	_ =	swait.ge [sflag:s12], $0x80  }
0xaf: {  	[sflag:s12] =	ssyncset.done $0x0  }
0xb0: {  	[sflag:s12] =	ssyncadd.s32 $0xFFFFFF80  }
0xb1: {  	_ =	swait.ge [sflag:s12], $0x80  }
0xb2: {  	[sflag:s12] =	ssyncset.done $0x0  }
0xb3: {  	[sflag:s12] =	ssyncadd.s32 $0xFFFFFF80  }
0xb4: {  	_ =	swait.ge [sflag:s12], $0x80  }
0xb5: {  	[sflag:s12] =	ssyncset.done $0x0  }
0xb6: {  	[sflag:s12] =	ssyncadd.s32 $0xFFFFFF80  }
0xb7: {  	_ =	swait.ge [sflag:s12], $0x80  }
0xb8: {  	[sflag:s12] =	ssyncset.done $0x0  }
0xb9: {  	[sflag:s12] =	ssyncadd.s32 $0xFFFFFF80  }
0xba: {  	_ =	swait.ge [sflag:s12], $0x80  }
0xbb: {  	[sflag:s12] =	ssyncset.done $0x0  }
0xbc: {  	s14 =	sadd.s32 $0x1, s14;
	[sflag:s12] =	ssyncadd.s32 $0xFFFFFF80  }
0xbd: {  	s15 =	simm.s32 @!p0 $0x1C02;
	p1 =	sne.s32 s14, s5;
	[bflag:$0x0] =	sbarrier.arrive $0xFFFF  }
0xbe: {  	[hbm:s6], [sflag:s15] =	dma.local @!p0 [spmem:s13], $0x4F0  }
.Ltmp1:
0xbf: {  	_ = 	snop;
	(pc) =	sbr.rel @p1 .LBB2_1-.Ltmp1, $4  }
0xc0: {  	s15 =	simm.s32 @!p0 $0x2  }
0xc1: {  	_ =	swait.ge @!p0 [sflag:s15], $0x4F0  }
0xc2: {  	[sflag:s15] =	ssyncset.done @!p0 $0x0  }
0xc3: {  	[sflag:s15] =	ssyncadd.s32 @!p0 $0xFFFFFB10  }
0xc4: {  	_ =	sfence.sel $0x180000  }
0xc5: {  	[bflag:$0x0] =	sbarrier.arrive $0xFFFF  }
0xc6: {  	_ =	strace $0x90000047  }
0xc7: {  	s0 =	sadd.s32 @!p0 $0x100000, s0;
	[bflag:$0x2] =	sbarrier.arrive $0xFFFF  }
0xc8: {  	[sflag:s0] =	ssyncadd.tile.s32 @!p0 $0x1;
	_ =	shalt  }
.Lfunc_end2:
_tile_overlayer_lowered:
.L_overlay_start_2:
0xc9: {  	(tag) =	ssettag $0x2  }
0xca: {  	s0 =	rddreg [dreg:$0x0];
	s2 =	stileid.u32  }
0xcb: {  	s1 =	rddreg [dreg:$0x1];
	p0 =	sne.s32 s2, $0x0  }
0xcc: {  	s3 =	rddreg [dreg:$0x2];
	[bflag:$0x3] =	sbarrier.arrive $0xFFFF;
	s2 =	simm.s32 @!p0 $0x1C02  }
0xcd: {  	[timem:s3], [sflag:s2] =	dma.local @!p0 [hbm:s0], s1  }
0xce: {  	s0 =	simm.s32 @!p0 $0x2  }
0xcf: {  	_ =	swait.ge @!p0 [sflag:s0], s1  }
0xd0: {  	s1 =	ssub.s32 @!p0 $0x0, s1;
	[sflag:s0] =	ssyncset.done @!p0 $0x0  }
0xd1: {  	[sflag:s0] =	ssyncadd.s32 @!p0 s1  }
0xd2: {  	[bflag:$0x3] =	sbarrier.arrive $0xFFFF  }
0xd3: {  	_ =	shalt  }

</sc_bundles>
